<compile_context>
chip_gen: v7x
topology: tpu7x:2x2x1
jax: 0.10.2.dev20260603
libtpu: 0.0.44.dev20260713+nightly
codegen_flags: <defaults>
</compile_context>

<pallas_src>
import jax
import jax.numpy as jnp
from jax.experimental import pallas as pl
from jax.experimental.pallas import tpu as pltpu

N, D = 197, 768
H, HD, MLP = 12, 64, 3072
RH, LRANK, RES, EPS = 512, 256, 1, 1e-5
TBLK = 512

_HI = jax.lax.Precision.HIGHEST
_BF = jnp.bfloat16
_F32 = jnp.float32
_NT = (((1,), (1,)), ((), ()))


def _normalize(x):
    m = jnp.mean(x, axis=-1, keepdims=True)
    v = jnp.mean((x - m) ** 2, axis=-1, keepdims=True)
    return (x - m) / jnp.sqrt(v + EPS)


def _make_ra_kernel(bb):
    def _ra_kernel(x_ref, rg_ref, rb_ref, riw_ref, rib_ref, w1_ref,
                   b1_ref, w2_ref, b2_ref, w3_ref, b3_ref, g1_ref, bb1_ref,
                   wq_ref, wk_ref, wv_ref, wo_ref,
                   bq_ref, bk_ref, bv_ref, bo_ref,
                   h_ref, k0_ref, k1_ref):
        for b in range(bb):
            x = x_ref[b]
            xn = _normalize(x)
            z = xn * rg_ref[...] + rb_ref[...]
            z = jax.nn.gelu(jnp.dot(z.astype(_BF), riw_ref[...],
                                    preferred_element_type=_F32)
                            + rib_ref[...])
            g = jnp.mean(z, axis=0, keepdims=True)
            zc = jnp.concatenate([z, jnp.broadcast_to(g, z.shape)],
                                 axis=-1).astype(_BF)
            h1 = jax.nn.gelu(jnp.dot(zc, w1_ref[...],
                                     preferred_element_type=_F32)
                             + b1_ref[...])
            h2 = jax.nn.gelu(jnp.dot(h1.astype(_BF), w2_ref[...],
                                     preferred_element_type=_F32)
                             + b2_ref[...])
            lg = jnp.dot(h2.astype(_BF), w3_ref[...],
                         preferred_element_type=_F32) + b3_ref[...]
            row = jax.lax.broadcasted_iota(jnp.int32, (N, 1), 0)
            k0 = jnp.where(row < RES, 1.0,
                           (lg[:, 1:2] > lg[:, 0:1]).astype(_F32))
            k1 = jnp.where(row < RES, 1.0,
                           (lg[:, 3:4] > lg[:, 2:3]).astype(_F32))
            k0_ref[b] = k0
            k1_ref[b] = k1
            xln = (xn * g1_ref[...] + bb1_ref[...]).astype(_BF)
            q = ((jnp.dot(xln, wq_ref[...], preferred_element_type=_F32)
                  + bq_ref[...]) * 0.125).astype(_BF)
            k = (jnp.dot(xln, wk_ref[...], preferred_element_type=_F32)
                 + bk_ref[...]).astype(_BF)
            v = (jnp.dot(xln, wv_ref[...], preferred_element_type=_F32)
                 + bv_ref[...]).astype(_BF)
            es = []
            for h in range(H):
                sl = slice(h * HD, (h + 1) * HD)
                s = jax.lax.dot_general(q[:, sl], k[:, sl], _NT,
                                        preferred_element_type=_F32)
                es.append(jnp.exp(s))
            os = []
            for h in range(H):
                sl = slice(h * HD, (h + 1) * HD)
                rs = 1.0 / jnp.sum(es[h], axis=-1, keepdims=True)
                o = jnp.dot(es[h].astype(_BF), v[:, sl],
                            preferred_element_type=_F32) * rs
                os.append(o.astype(_BF))
            o_all = jnp.concatenate(os, axis=1)
            attn = jnp.dot(o_all, wo_ref[...],
                           preferred_element_type=_F32) + bo_ref[...]
            h_ref[b] = x + k0 * attn
    return _ra_kernel


def _ffn_kernel(h_ref, k0_ref, k1_ref, g2_ref, b2_ref, f1w_ref, f1b_ref,
                f2w_ref, f2b_ref, dcat_ref, ucat_ref, out_ref):
    hb = h_ref[...]
    hl = _normalize(hb) * g2_ref[...] + b2_ref[...]
    a = jax.nn.gelu(jnp.dot(hl.astype(_BF), f1w_ref[...],
                            preferred_element_type=_F32) + f1b_ref[...])
    f = jnp.dot(a.astype(_BF), f2w_ref[...],
                preferred_element_type=_F32) + f2b_ref[...]
    k0, k1 = k0_ref[...], k1_ref[...]
    out = hb + k1 * f
    ob = out.astype(_BF)
    m0 = (1.0 - k0) * (1.0 - k1)
    m1 = (1.0 - k0) * k1
    m2 = k0 * (1.0 - k1)
    mid = jnp.dot(ob, dcat_ref[...], preferred_element_type=_F32)
    msk = jnp.concatenate([jnp.broadcast_to(m0, (TBLK, LRANK)),
                           jnp.broadcast_to(m1, (TBLK, LRANK)),
                           jnp.broadcast_to(m2, (TBLK, LRANK))], axis=1)
    ap = jnp.dot((mid * msk).astype(_BF), ucat_ref[...],
                 preferred_element_type=_F32)
    out_ref[...] = out + ap


def _full(shape):
    nd = len(shape)
    return pl.BlockSpec(shape, lambda i: (0,) * nd)


def _row2(a):
    return a.reshape(1, -1)


def kernel(x, params):
    p = params
    B = x.shape[0]
    BB = 2 if B % 2 == 0 else 1

    h, k0, k1 = pl.pallas_call(
        _make_ra_kernel(BB),
        grid=(B // BB,),
        in_specs=[pl.BlockSpec((BB, N, D), lambda i: (i, 0, 0))]
        + [_full(s) for s in ((1, D), (1, D), (D, RH), (1, RH),
                              (2 * RH, RH), (1, RH), (RH, RH // 2),
                              (1, RH // 2), (RH // 2, 4), (1, 4),
                              (1, D), (1, D),
                              (D, D), (D, D), (D, D), (D, D),
                              (1, D), (1, D), (1, D), (1, D))],
        out_specs=[pl.BlockSpec((BB, N, D), lambda i: (i, 0, 0)),
                   pl.BlockSpec((BB, N, 1), lambda i: (i, 0, 0)),
                   pl.BlockSpec((BB, N, 1), lambda i: (i, 0, 0))],
        out_shape=[jax.ShapeDtypeStruct((B, N, D), _F32),
                   jax.ShapeDtypeStruct((B, N, 1), _F32),
                   jax.ShapeDtypeStruct((B, N, 1), _F32)],
    )(x, _row2(p['r_ln_g']), _row2(p['r_ln_b']), p['r_in_w'].astype(_BF),
      _row2(p['r_in_b']), p['r_o1_w'].astype(_BF),
      _row2(p['r_o1_b']), p['r_o2_w'].astype(_BF),
      _row2(p['r_o2_b']), p['r_o3_w'].astype(_BF), _row2(p['r_o3_b']),
      _row2(p['ln1_g']), _row2(p['ln1_b']),
      p['wq'].astype(_BF), p['wk'].astype(_BF), p['wv'].astype(_BF),
      p['wo'].astype(_BF), _row2(p['bq']), _row2(p['bk']),
      _row2(p['bv']), _row2(p['bo']))

    T = B * N
    TP = ((T + TBLK - 1) // TBLK) * TBLK
    pad = TP - T
    hf = jnp.pad(h.reshape(T, D), ((0, pad), (0, 0)))
    k0f = jnp.pad(k0.reshape(T, 1), ((0, pad), (0, 0)))
    k1f = jnp.pad(k1.reshape(T, 1), ((0, pad), (0, 0)))
    dcat = jnp.concatenate([p['lra0_down'], p['lra1_down'],
                            p['lra2_down']], axis=1).astype(_BF)
    ucat = jnp.concatenate([p['lra0_up'], p['lra1_up'],
                            p['lra2_up']], axis=0).astype(_BF)

    out = pl.pallas_call(
        _ffn_kernel,
        grid=(TP // TBLK,),
        in_specs=[pl.BlockSpec((TBLK, D), lambda i: (i, 0)),
                  pl.BlockSpec((TBLK, 1), lambda i: (i, 0)),
                  pl.BlockSpec((TBLK, 1), lambda i: (i, 0))]
        + [_full(s) for s in ((1, D), (1, D), (D, MLP), (1, MLP),
                              (MLP, D), (1, D),
                              (D, 3 * LRANK), (3 * LRANK, D))],
        out_specs=pl.BlockSpec((TBLK, D), lambda i: (i, 0)),
        out_shape=jax.ShapeDtypeStruct((TP, D), _F32),
    )(hf, k0f, k1f, _row2(p['ln2_g']), _row2(p['ln2_b']),
      p['fc1_w'].astype(_BF), _row2(p['fc1_b']),
      p['fc2_w'].astype(_BF), _row2(p['fc2_b']), dcat, ucat)

    return out[:T].reshape(B, N, D)

# --- scband reference (transcript-rebuilt; emitter-appended) ---
"""Pipeline reference for scband-transformer-block-6622839571384 (READ-ONLY COPY).

The authoritative reference and input builder live on the scoring server;
editing this copy changes nothing except your own understanding.
"""

import jax, jax.numpy as jnp
import numpy as np

B, N, D = 64, 197, 768
H, HD, MLP = 12, 64, 3072
RH, LRANK, RES, EPS = 512, 256, 1, 1e-5

def _ln(x, g, b):
    m = jnp.mean(x, axis=-1, keepdims=True)
    v = jnp.var(x, axis=-1, keepdims=True)
    return (x - m) / jnp.sqrt(v + EPS) * g + b

def _attn(x, p):
    b, n, d = x.shape
    q = (x @ p['wq'] + p['bq']).reshape(b, n, H, HD).transpose(0, 2, 1, 3)
    k = (x @ p['wk'] + p['bk']).reshape(b, n, H, HD).transpose(0, 2, 1, 3)
    v = (x @ p['wv'] + p['bv']).reshape(b, n, H, HD).transpose(0, 2, 1, 3)
    s = jnp.einsum('bhqd,bhkd->bhqk', q, k) / np.sqrt(HD).astype(np.float32)
    a = jax.nn.softmax(s.astype(jnp.float32), axis=-1)
    o = jnp.einsum('bhqk,bhkd->bhqd', a, v)
    o = o.transpose(0, 2, 1, 3).reshape(b, n, d)
    return o @ p['wo'] + p['bo']

def _ffn(x, p):
    return jax.nn.gelu(x @ p['fc1_w'] + p['fc1_b']) @ p['fc2_w'] + p['fc2_b']

def _forward(x, p):
    # RouterModule: local-global context fusion, block_size=2 decisions (attn, ffn)
    z = _ln(x, p['r_ln_g'], p['r_ln_b'])
    z = jax.nn.gelu(z @ p['r_in_w'] + p['r_in_b'])
    g = jnp.broadcast_to(jnp.mean(z, axis=1, keepdims=True), z.shape)
    h1 = jax.nn.gelu(jnp.concatenate([z, g], axis=-1) @ p['r_o1_w'] + p['r_o1_b'])
    h2 = jax.nn.gelu(h1 @ p['r_o2_w'] + p['r_o2_b'])
    logits = (h2 @ p['r_o3_w'] + p['r_o3_b']).reshape(x.shape[0], x.shape[1], 2, 2)
    keep = (logits[..., 1] > logits[..., 0]).astype(x.dtype)
    res = (jnp.arange(x.shape[1]) < RES)[None, :, None]
    keep = jnp.where(res, jnp.ones_like(keep), keep)
    # _router2indices: binary path code, weights 2^(n-1-i)
    indices = (keep[..., 0] * 2.0 + keep[..., 1]).astype(jnp.int32)
    # block: gated attention + gated FFN sublayers
    h = x + keep[..., 0:1] * _attn(_ln(x, p['ln1_g'], p['ln1_b']), p)
    out = h + keep[..., 1:2] * _ffn(_ln(h, p['ln2_g'], p['ln2_b']), p)
    # BlockPathApproximators: low-rank residual expert per non-full path key (0,1,2)
    for kk in range(3):
        approx = (out @ p['lra%d_down' % kk]) @ p['lra%d_up' % kk]
        out = jnp.where((indices == kk)[..., None], out + approx, out)
    return out

def setup_inputs(seed: int = 0):
    key = jax.random.key(seed)
    ks = iter(jax.random.split(key, 40))
    def w(shape, std=0.02):
        return jax.random.normal(next(ks), shape, jnp.float32) * std
    p = {}
    p['ln1_g'] = jnp.ones((D,), jnp.float32); p['ln1_b'] = jnp.zeros((D,), jnp.float32)
    p['ln2_g'] = jnp.ones((D,), jnp.float32); p['ln2_b'] = jnp.zeros((D,), jnp.float32)
    for nme in ('wq', 'wk', 'wv', 'wo'):
        p[nme] = w((D, D))
    for nme in ('bq', 'bk', 'bv', 'bo'):
        p[nme] = jnp.zeros((D,), jnp.float32)
    p['fc1_w'] = w((D, MLP)); p['fc1_b'] = jnp.zeros((MLP,), jnp.float32)
    p['fc2_w'] = w((MLP, D)); p['fc2_b'] = jnp.zeros((D,), jnp.float32)
    p['r_ln_g'] = jnp.ones((D,), jnp.float32); p['r_ln_b'] = jnp.zeros((D,), jnp.float32)
    p['r_in_w'] = w((D, RH)); p['r_in_b'] = jnp.zeros((RH,), jnp.float32)
    p['r_o1_w'] = w((2 * RH, RH)); p['r_o1_b'] = jnp.zeros((RH,), jnp.float32)
    p['r_o2_w'] = w((RH, RH // 2)); p['r_o2_b'] = jnp.zeros((RH // 2,), jnp.float32)
    p['r_o3_w'] = w((RH // 2, 4), std=0.5); p['r_o3_b'] = jnp.zeros((4,), jnp.float32)
    for kk in range(3):
        p['lra%d_down' % kk] = w((D, LRANK), std=0.01)
        p['lra%d_up' % kk] = w((LRANK, D), std=0.01)
    x = jax.random.normal(next(ks), (B, N, D), jnp.float32)
    return {'x': x, 'params': p}

def reference(x, params):
    return _forward(x, params)

if __name__ == "__main__":
    import jax
    _d = setup_inputs()
    print(jax.jit(kernel)(*tuple(_d.values())))

</pallas_src>

<mosaic_0001>
module attributes {stable_mosaic.version = 14 : i64} {
  func.func @_ra_kernel(%arg0: i32, %arg1: memref<2x197x768xf32, #tpu.memory_space<vmem>>, %arg2: memref<1x768xf32, #tpu.memory_space<vmem>>, %arg3: memref<1x768xf32, #tpu.memory_space<vmem>>, %arg4: memref<768x512xbf16, #tpu.memory_space<vmem>>, %arg5: memref<1x512xf32, #tpu.memory_space<vmem>>, %arg6: memref<1024x512xbf16, #tpu.memory_space<vmem>>, %arg7: memref<1x512xf32, #tpu.memory_space<vmem>>, %arg8: memref<512x256xbf16, #tpu.memory_space<vmem>>, %arg9: memref<1x256xf32, #tpu.memory_space<vmem>>, %arg10: memref<256x4xbf16, #tpu.memory_space<vmem>>, %arg11: memref<1x4xf32, #tpu.memory_space<vmem>>, %arg12: memref<1x768xf32, #tpu.memory_space<vmem>>, %arg13: memref<1x768xf32, #tpu.memory_space<vmem>>, %arg14: memref<768x768xbf16, #tpu.memory_space<vmem>>, %arg15: memref<768x768xbf16, #tpu.memory_space<vmem>>, %arg16: memref<768x768xbf16, #tpu.memory_space<vmem>>, %arg17: memref<768x768xbf16, #tpu.memory_space<vmem>>, %arg18: memref<1x768xf32, #tpu.memory_space<vmem>>, %arg19: memref<1x768xf32, #tpu.memory_space<vmem>>, %arg20: memref<1x768xf32, #tpu.memory_space<vmem>>, %arg21: memref<1x768xf32, #tpu.memory_space<vmem>>, %arg22: memref<2x197x768xf32, #tpu.memory_space<vmem>>, %arg23: memref<2x197x1xf32, #tpu.memory_space<vmem>>, %arg24: memref<2x197x1xf32, #tpu.memory_space<vmem>>) attributes {dimension_semantics = [#tpu.dimension_semantics<arbitrary>], iteration_bounds = array<i64: 32>, scalar_prefetch = 0 : i64, scratch_operands = 0 : i64, tpu.core_type = #tpu.core_type<tc>, window_params = [{transform_indices = @transform_0, window_bounds = array<i64: 2, 197, 768>}, {pipeline_mode = #tpu.pipeline_mode<synchronous>, transform_indices = @transform_1, window_bounds = array<i64: 1, 768>}, {pipeline_mode = #tpu.pipeline_mode<synchronous>, transform_indices = @transform_2, window_bounds = array<i64: 1, 768>}, {pipeline_mode = #tpu.pipeline_mode<synchronous>, transform_indices = @transform_3, window_bounds = array<i64: 768, 512>}, {pipeline_mode = #tpu.pipeline_mode<synchronous>, transform_indices = @transform_4, window_bounds = array<i64: 1, 512>}, {pipeline_mode = #tpu.pipeline_mode<synchronous>, transform_indices = @transform_5, window_bounds = array<i64: 1024, 512>}, {pipeline_mode = #tpu.pipeline_mode<synchronous>, transform_indices = @transform_6, window_bounds = array<i64: 1, 512>}, {pipeline_mode = #tpu.pipeline_mode<synchronous>, transform_indices = @transform_7, window_bounds = array<i64: 512, 256>}, {pipeline_mode = #tpu.pipeline_mode<synchronous>, transform_indices = @transform_8, window_bounds = array<i64: 1, 256>}, {pipeline_mode = #tpu.pipeline_mode<synchronous>, transform_indices = @transform_9, window_bounds = array<i64: 256, 4>}, {pipeline_mode = #tpu.pipeline_mode<synchronous>, transform_indices = @transform_10, window_bounds = array<i64: 1, 4>}, {pipeline_mode = #tpu.pipeline_mode<synchronous>, transform_indices = @transform_11, window_bounds = array<i64: 1, 768>}, {pipeline_mode = #tpu.pipeline_mode<synchronous>, transform_indices = @transform_12, window_bounds = array<i64: 1, 768>}, {pipeline_mode = #tpu.pipeline_mode<synchronous>, transform_indices = @transform_13, window_bounds = array<i64: 768, 768>}, {pipeline_mode = #tpu.pipeline_mode<synchronous>, transform_indices = @transform_14, window_bounds = array<i64: 768, 768>}, {pipeline_mode = #tpu.pipeline_mode<synchronous>, transform_indices = @transform_15, window_bounds = array<i64: 768, 768>}, {pipeline_mode = #tpu.pipeline_mode<synchronous>, transform_indices = @transform_16, window_bounds = array<i64: 768, 768>}, {pipeline_mode = #tpu.pipeline_mode<synchronous>, transform_indices = @transform_17, window_bounds = array<i64: 1, 768>}, {pipeline_mode = #tpu.pipeline_mode<synchronous>, transform_indices = @transform_18, window_bounds = array<i64: 1, 768>}, {pipeline_mode = #tpu.pipeline_mode<synchronous>, transform_indices = @transform_19, window_bounds = array<i64: 1, 768>}, {pipeline_mode = #tpu.pipeline_mode<synchronous>, transform_indices = @transform_20, window_bounds = array<i64: 1, 768>}, {transform_indices = @transform_21, window_bounds = array<i64: 2, 197, 768>}, {transform_indices = @transform_22, window_bounds = array<i64: 2, 197, 1>}, {transform_indices = @transform_23, window_bounds = array<i64: 2, 197, 1>}]} {
    %get3A = arith.constant 0 : index
    %get3A_0 = arith.constant 0 : index
    %get3A_1 = arith.constant 0 : index
    %get3A_2 = vector.load %arg1[%get3A, %get3A_0, %get3A_1] : memref<2x197x768xf32, #tpu.memory_space<vmem>>, vector<1x197x768xf32>
    %get3A_3 = vector.shape_cast %get3A_2 : vector<1x197x768xf32> to vector<197x768xf32>
    %reduce_sum3A = arith.constant dense<0.000000e+00> : vector<197xf32>
    %reduce_sum3A_4 = vector.multi_reduction <add>, %get3A_3, %reduce_sum3A [1] : vector<197x768xf32> to vector<197xf32>
    %broadcast_in_dim3A = vector.shape_cast %reduce_sum3A_4 : vector<197xf32> to vector<197x1xf32>
    %div3A = arith.constant 7.680000e+02 : f32
    %div3A_5 = vector.broadcast %div3A : f32 to vector<197x1xf32>
    %div3A_6 = arith.divf %broadcast_in_dim3A, %div3A_5 : vector<197x1xf32>
    %sub3A = vector.broadcast %div3A_6 : vector<197x1xf32> to vector<197x768xf32>
    %sub3A_7 = arith.subf %get3A_3, %sub3A : vector<197x768xf32>
    %integer_pow3A = arith.mulf %sub3A_7, %sub3A_7 : vector<197x768xf32>
    %reduce_sum3A_8 = arith.constant dense<0.000000e+00> : vector<197xf32>
    %reduce_sum3A_9 = vector.multi_reduction <add>, %integer_pow3A, %reduce_sum3A_8 [1] : vector<197x768xf32> to vector<197xf32>
    %broadcast_in_dim3A_10 = vector.shape_cast %reduce_sum3A_9 : vector<197xf32> to vector<197x1xf32>
    %div3A_11 = arith.constant 7.680000e+02 : f32
    %div3A_12 = vector.broadcast %div3A_11 : f32 to vector<197x1xf32>
    %div3A_13 = arith.divf %broadcast_in_dim3A_10, %div3A_12 : vector<197x1xf32>
    %sub3A_14 = vector.broadcast %div3A_6 : vector<197x1xf32> to vector<197x768xf32>
    %sub3A_15 = arith.subf %get3A_3, %sub3A_14 : vector<197x768xf32>
    %add3A = arith.constant 9.99999974E-6 : f32
    %add3A_16 = vector.broadcast %add3A : f32 to vector<197x1xf32>
    %add3A_17 = arith.addf %div3A_13, %add3A_16 : vector<197x1xf32>
    %sqrt3A = math.sqrt %add3A_17 : vector<197x1xf32>
    %div3A_18 = vector.broadcast %sqrt3A : vector<197x1xf32> to vector<197x768xf32>
    %div3A_19 = arith.divf %sub3A_15, %div3A_18 : vector<197x768xf32>
    %get3A_20 = arith.constant 0 : index
    %get3A_21 = arith.constant 0 : index
    %get3A_22 = vector.load %arg2[%get3A_20, %get3A_21] : memref<1x768xf32, #tpu.memory_space<vmem>>, vector<1x768xf32>
    %mul3A = vector.broadcast %get3A_22 : vector<1x768xf32> to vector<197x768xf32>
    %mul3A_23 = arith.mulf %div3A_19, %mul3A : vector<197x768xf32>
    %get3A_24 = arith.constant 0 : index
    %get3A_25 = arith.constant 0 : index
    %get3A_26 = vector.load %arg3[%get3A_24, %get3A_25] : memref<1x768xf32, #tpu.memory_space<vmem>>, vector<1x768xf32>
    %add3A_27 = vector.broadcast %get3A_26 : vector<1x768xf32> to vector<197x768xf32>
    %add3A_28 = arith.addf %mul3A_23, %add3A_27 : vector<197x768xf32>
    %convert_element_type3A = arith.truncf %add3A_28 : vector<197x768xf32> to vector<197x768xbf16>
    %get3A_29 = arith.constant 0 : index
    %get3A_30 = arith.constant 0 : index
    %get3A_31 = vector.load %arg4[%get3A_29, %get3A_30] : memref<768x512xbf16, #tpu.memory_space<vmem>>, vector<768x512xbf16>
    %dot_general3A = arith.constant dense<0.000000e+00> : vector<197x512xf32>
    %dot_general3A_32 = tpu.matmul %convert_element_type3A, %get3A_31, %dot_general3A {dimension_numbers = #tpu.dot_dimension_numbers<[1], [0], [0], [1], [0, 0, 1, 1], [], []>, transpose_lhs_hint = false} : vector<197x768xbf16>, vector<768x512xbf16>, vector<197x512xf32> -> vector<197x512xf32>
    %get3A_33 = arith.constant 0 : index
    %get3A_34 = arith.constant 0 : index
    %get3A_35 = vector.load %arg5[%get3A_33, %get3A_34] : memref<1x512xf32, #tpu.memory_space<vmem>>, vector<1x512xf32>
    %add3A_36 = vector.broadcast %get3A_35 : vector<1x512xf32> to vector<197x512xf32>
    %add3A_37 = arith.addf %dot_general3A_32, %add3A_36 : vector<197x512xf32>
    %integer_pow3A_38 = arith.mulf %add3A_37, %add3A_37 : vector<197x512xf32>
    %integer_pow3A_39 = arith.mulf %add3A_37, %integer_pow3A_38 : vector<197x512xf32>
    %mul3A_40 = arith.constant 4.471500e-02 : f32
    %mul3A_41 = vector.broadcast %mul3A_40 : f32 to vector<197x512xf32>
    %mul3A_42 = arith.mulf %mul3A_41, %integer_pow3A_39 : vector<197x512xf32>
    %add3A_43 = arith.addf %add3A_37, %mul3A_42 : vector<197x512xf32>
    %mul3A_44 = arith.constant 0.797884583 : f32
    %mul3A_45 = vector.broadcast %mul3A_44 : f32 to vector<197x512xf32>
    %mul3A_46 = arith.mulf %mul3A_45, %add3A_43 : vector<197x512xf32>
    %tanh3A = math.tanh %mul3A_46 : vector<197x512xf32>
    %add3A_47 = arith.constant 1.000000e+00 : f32
    %add3A_48 = vector.broadcast %add3A_47 : f32 to vector<197x512xf32>
    %add3A_49 = arith.addf %add3A_48, %tanh3A : vector<197x512xf32>
    %mul3A_50 = arith.constant 5.000000e-01 : f32
    %mul3A_51 = vector.broadcast %mul3A_50 : f32 to vector<197x512xf32>
    %mul3A_52 = arith.mulf %mul3A_51, %add3A_49 : vector<197x512xf32>
    %mul3A_53 = arith.mulf %add3A_37, %mul3A_52 : vector<197x512xf32>
    %reduce_sum3A_54 = arith.constant dense<0.000000e+00> : vector<512xf32>
    %reduce_sum3A_55 = vector.multi_reduction <add>, %mul3A_53, %reduce_sum3A_54 [0] : vector<197x512xf32> to vector<512xf32>
    %broadcast_in_dim3A_56 = vector.shape_cast %reduce_sum3A_55 : vector<512xf32> to vector<1x512xf32>
    %div3A_57 = arith.constant 1.970000e+02 : f32
    %div3A_58 = vector.broadcast %div3A_57 : f32 to vector<1x512xf32>
    %div3A_59 = arith.divf %broadcast_in_dim3A_56, %div3A_58 : vector<1x512xf32>
    %broadcast_in_dim3A_60 = vector.shape_cast %div3A_59 : vector<1x512xf32> to vector<1x512xf32>
    %broadcast_in_dim3A_61 = vector.broadcast %broadcast_in_dim3A_60 : vector<1x512xf32> to vector<197x512xf32>
    %concatenate3A = tpu.concatenate %mul3A_53, %broadcast_in_dim3A_61 in 1 : vector<197x512xf32>, vector<197x512xf32> -> vector<197x1024xf32>
    %convert_element_type3A_62 = arith.truncf %concatenate3A : vector<197x1024xf32> to vector<197x1024xbf16>
    %get3A_63 = arith.constant 0 : index
    %get3A_64 = arith.constant 0 : index
    %get3A_65 = vector.load %arg6[%get3A_63, %get3A_64] : memref<1024x512xbf16, #tpu.memory_space<vmem>>, vector<1024x512xbf16>
    %dot_general3A_66 = arith.constant dense<0.000000e+00> : vector<197x512xf32>
    %dot_general3A_67 = tpu.matmul %convert_element_type3A_62, %get3A_65, %dot_general3A_66 {dimension_numbers = #tpu.dot_dimension_numbers<[1], [0], [0], [1], [0, 0, 1, 1], [], []>, transpose_lhs_hint = false} : vector<197x1024xbf16>, vector<1024x512xbf16>, vector<197x512xf32> -> vector<197x512xf32>
    %get3A_68 = arith.constant 0 : index
    %get3A_69 = arith.constant 0 : index
    %get3A_70 = vector.load %arg7[%get3A_68, %get3A_69] : memref<1x512xf32, #tpu.memory_space<vmem>>, vector<1x512xf32>
    %add3A_71 = vector.broadcast %get3A_70 : vector<1x512xf32> to vector<197x512xf32>
    %add3A_72 = arith.addf %dot_general3A_67, %add3A_71 : vector<197x512xf32>
    %integer_pow3A_73 = arith.mulf %add3A_72, %add3A_72 : vector<197x512xf32>
    %integer_pow3A_74 = arith.mulf %add3A_72, %integer_pow3A_73 : vector<197x512xf32>
    %mul3A_75 = arith.constant 4.471500e-02 : f32
    %mul3A_76 = vector.broadcast %mul3A_75 : f32 to vector<197x512xf32>
    %mul3A_77 = arith.mulf %mul3A_76, %integer_pow3A_74 : vector<197x512xf32>
    %add3A_78 = arith.addf %add3A_72, %mul3A_77 : vector<197x512xf32>
    %mul3A_79 = arith.constant 0.797884583 : f32
    %mul3A_80 = vector.broadcast %mul3A_79 : f32 to vector<197x512xf32>
    %mul3A_81 = arith.mulf %mul3A_80, %add3A_78 : vector<197x512xf32>
    %tanh3A_82 = math.tanh %mul3A_81 : vector<197x512xf32>
    %add3A_83 = arith.constant 1.000000e+00 : f32
    %add3A_84 = vector.broadcast %add3A_83 : f32 to vector<197x512xf32>
    %add3A_85 = arith.addf %add3A_84, %tanh3A_82 : vector<197x512xf32>
    %mul3A_86 = arith.constant 5.000000e-01 : f32
    %mul3A_87 = vector.broadcast %mul3A_86 : f32 to vector<197x512xf32>
    %mul3A_88 = arith.mulf %mul3A_87, %add3A_85 : vector<197x512xf32>
    %mul3A_89 = arith.mulf %add3A_72, %mul3A_88 : vector<197x512xf32>
    %convert_element_type3A_90 = arith.truncf %mul3A_89 : vector<197x512xf32> to vector<197x512xbf16>
    %get3A_91 = arith.constant 0 : index
    %get3A_92 = arith.constant 0 : index
    %get3A_93 = vector.load %arg8[%get3A_91, %get3A_92] : memref<512x256xbf16, #tpu.memory_space<vmem>>, vector<512x256xbf16>
    %dot_general3A_94 = arith.constant dense<0.000000e+00> : vector<197x256xf32>
    %dot_general3A_95 = tpu.matmul %convert_element_type3A_90, %get3A_93, %dot_general3A_94 {dimension_numbers = #tpu.dot_dimension_numbers<[1], [0], [0], [1], [0, 0, 1, 1], [], []>, transpose_lhs_hint = false} : vector<197x512xbf16>, vector<512x256xbf16>, vector<197x256xf32> -> vector<197x256xf32>
    %get3A_96 = arith.constant 0 : index
    %get3A_97 = arith.constant 0 : index
    %get3A_98 = vector.load %arg9[%get3A_96, %get3A_97] : memref<1x256xf32, #tpu.memory_space<vmem>>, vector<1x256xf32>
    %add3A_99 = vector.broadcast %get3A_98 : vector<1x256xf32> to vector<197x256xf32>
    %add3A_100 = arith.addf %dot_general3A_95, %add3A_99 : vector<197x256xf32>
    %integer_pow3A_101 = arith.mulf %add3A_100, %add3A_100 : vector<197x256xf32>
    %integer_pow3A_102 = arith.mulf %add3A_100, %integer_pow3A_101 : vector<197x256xf32>
    %mul3A_103 = arith.constant 4.471500e-02 : f32
    %mul3A_104 = vector.broadcast %mul3A_103 : f32 to vector<197x256xf32>
    %mul3A_105 = arith.mulf %mul3A_104, %integer_pow3A_102 : vector<197x256xf32>
    %add3A_106 = arith.addf %add3A_100, %mul3A_105 : vector<197x256xf32>
    %mul3A_107 = arith.constant 0.797884583 : f32
    %mul3A_108 = vector.broadcast %mul3A_107 : f32 to vector<197x256xf32>
    %mul3A_109 = arith.mulf %mul3A_108, %add3A_106 : vector<197x256xf32>
    %tanh3A_110 = math.tanh %mul3A_109 : vector<197x256xf32>
    %add3A_111 = arith.constant 1.000000e+00 : f32
    %add3A_112 = vector.broadcast %add3A_111 : f32 to vector<197x256xf32>
    %add3A_113 = arith.addf %add3A_112, %tanh3A_110 : vector<197x256xf32>
    %mul3A_114 = arith.constant 5.000000e-01 : f32
    %mul3A_115 = vector.broadcast %mul3A_114 : f32 to vector<197x256xf32>
    %mul3A_116 = arith.mulf %mul3A_115, %add3A_113 : vector<197x256xf32>
    %mul3A_117 = arith.mulf %add3A_100, %mul3A_116 : vector<197x256xf32>
    %convert_element_type3A_118 = arith.truncf %mul3A_117 : vector<197x256xf32> to vector<197x256xbf16>
    %get3A_119 = arith.constant 0 : index
    %get3A_120 = arith.constant 0 : index
    %get3A_121 = vector.load %arg10[%get3A_119, %get3A_120] : memref<256x4xbf16, #tpu.memory_space<vmem>>, vector<256x4xbf16>
    %dot_general3A_122 = arith.constant dense<0.000000e+00> : vector<197x4xf32>
    %dot_general3A_123 = tpu.matmul %convert_element_type3A_118, %get3A_121, %dot_general3A_122 {dimension_numbers = #tpu.dot_dimension_numbers<[1], [0], [0], [1], [0, 0, 1, 1], [], []>, transpose_lhs_hint = false} : vector<197x256xbf16>, vector<256x4xbf16>, vector<197x4xf32> -> vector<197x4xf32>
    %get3A_124 = arith.constant 0 : index
    %get3A_125 = arith.constant 0 : index
    %get3A_126 = vector.load %arg11[%get3A_124, %get3A_125] : memref<1x4xf32, #tpu.memory_space<vmem>>, vector<1x4xf32>
    %add3A_127 = vector.broadcast %get3A_126 : vector<1x4xf32> to vector<197x4xf32>
    %add3A_128 = arith.addf %dot_general3A_123, %add3A_127 : vector<197x4xf32>
    %iota3A = tpu.iota {dimensions = array<i32: 0>} : vector<197x1xi32>
    %lt3A = arith.constant 1 : i32
    %lt3A_129 = vector.broadcast %lt3A : i32 to vector<197x1xi32>
    %lt3A_130 = arith.cmpi slt, %iota3A, %lt3A_129 : vector<197x1xi32>
    %slice3A = vector.extract_strided_slice %add3A_128 {offsets = [0, 1], sizes = [197, 1], strides = [1, 1]} : vector<197x4xf32> to vector<197x1xf32>
    %slice3A_131 = vector.extract_strided_slice %add3A_128 {offsets = [0, 0], sizes = [197, 1], strides = [1, 1]} : vector<197x4xf32> to vector<197x1xf32>
    %gt3A = arith.cmpf ogt, %slice3A, %slice3A_131 : vector<197x1xf32>
    %convert_element_type3A_132 = arith.extui %gt3A : vector<197x1xi1> to vector<197x1xi32>
    %convert_element_type3A_133 = arith.sitofp %convert_element_type3A_132 : vector<197x1xi32> to vector<197x1xf32>
    %jit3A = arith.constant 1.000000e+00 : f32
    %broadcast_in_dim3A_134 = vector.broadcast %jit3A : f32 to vector<197x1xf32>
    %select_n3A = arith.select %lt3A_130, %broadcast_in_dim3A_134, %convert_element_type3A_133 : vector<197x1xi1>, vector<197x1xf32>
    %lt3A_135 = arith.constant 1 : i32
    %lt3A_136 = vector.broadcast %lt3A_135 : i32 to vector<197x1xi32>
    %lt3A_137 = arith.cmpi slt, %iota3A, %lt3A_136 : vector<197x1xi32>
    %slice3A_138 = vector.extract_strided_slice %add3A_128 {offsets = [0, 3], sizes = [197, 1], strides = [1, 1]} : vector<197x4xf32> to vector<197x1xf32>
    %slice3A_139 = vector.extract_strided_slice %add3A_128 {offsets = [0, 2], sizes = [197, 1], strides = [1, 1]} : vector<197x4xf32> to vector<197x1xf32>
    %gt3A_140 = arith.cmpf ogt, %slice3A_138, %slice3A_139 : vector<197x1xf32>
    %convert_element_type3A_141 = arith.extui %gt3A_140 : vector<197x1xi1> to vector<197x1xi32>
    %convert_element_type3A_142 = arith.sitofp %convert_element_type3A_141 : vector<197x1xi32> to vector<197x1xf32>
    %jit3A_143 = arith.constant 1.000000e+00 : f32
    %broadcast_in_dim3A_144 = vector.broadcast %jit3A_143 : f32 to vector<197x1xf32>
    %select_n3A_145 = arith.select %lt3A_137, %broadcast_in_dim3A_144, %convert_element_type3A_142 : vector<197x1xi1>, vector<197x1xf32>
    %swap3A = arith.constant 0 : index
    %swap3A_146 = arith.constant 0 : index
    %swap3A_147 = arith.constant 0 : index
    %swap3A_148 = vector.load %arg23[%swap3A, %swap3A_146, %swap3A_147] : memref<2x197x1xf32, #tpu.memory_space<vmem>>, vector<1x197x1xf32>
    %swap3A_149 = vector.shape_cast %swap3A_148 : vector<1x197x1xf32> to vector<197x1xf32>
    %swap3A_150 = vector.shape_cast %select_n3A : vector<197x1xf32> to vector<1x197x1xf32>
    tpu.vector_store %arg23[%swap3A, %swap3A_146, %swap3A_147], %swap3A_150 {strides = array<i32>} : memref<2x197x1xf32, #tpu.memory_space<vmem>>, vector<1x197x1xf32>,
    %swap3A_151 = arith.constant 0 : index
    %swap3A_152 = arith.constant 0 : index
    %swap3A_153 = arith.constant 0 : index
    %swap3A_154 = vector.load %arg24[%swap3A_151, %swap3A_152, %swap3A_153] : memref<2x197x1xf32, #tpu.memory_space<vmem>>, vector<1x197x1xf32>
    %swap3A_155 = vector.shape_cast %swap3A_154 : vector<1x197x1xf32> to vector<197x1xf32>
    %swap3A_156 = vector.shape_cast %select_n3A_145 : vector<197x1xf32> to vector<1x197x1xf32>
    tpu.vector_store %arg24[%swap3A_151, %swap3A_152, %swap3A_153], %swap3A_156 {strides = array<i32>} : memref<2x197x1xf32, #tpu.memory_space<vmem>>, vector<1x197x1xf32>,
    %get3A_157 = arith.constant 0 : index
    %get3A_158 = arith.constant 0 : index
    %get3A_159 = vector.load %arg12[%get3A_157, %get3A_158] : memref<1x768xf32, #tpu.memory_space<vmem>>, vector<1x768xf32>
    %mul3A_160 = vector.broadcast %get3A_159 : vector<1x768xf32> to vector<197x768xf32>
    %mul3A_161 = arith.mulf %div3A_19, %mul3A_160 : vector<197x768xf32>
    %get3A_162 = arith.constant 0 : index
    %get3A_163 = arith.constant 0 : index
    %get3A_164 = vector.load %arg13[%get3A_162, %get3A_163] : memref<1x768xf32, #tpu.memory_space<vmem>>, vector<1x768xf32>
    %add3A_165 = vector.broadcast %get3A_164 : vector<1x768xf32> to vector<197x768xf32>
    %add3A_166 = arith.addf %mul3A_161, %add3A_165 : vector<197x768xf32>
    %convert_element_type3A_167 = arith.truncf %add3A_166 : vector<197x768xf32> to vector<197x768xbf16>
    %get3A_168 = arith.constant 0 : index
    %get3A_169 = arith.constant 0 : index
    %get3A_170 = vector.load %arg14[%get3A_168, %get3A_169] : memref<768x768xbf16, #tpu.memory_space<vmem>>, vector<768x768xbf16>
    %dot_general3A_171 = arith.constant dense<0.000000e+00> : vector<197x768xf32>
    %dot_general3A_172 = tpu.matmul %convert_element_type3A_167, %get3A_170, %dot_general3A_171 {dimension_numbers = #tpu.dot_dimension_numbers<[1], [0], [0], [1], [0, 0, 1, 1], [], []>, transpose_lhs_hint = false} : vector<197x768xbf16>, vector<768x768xbf16>, vector<197x768xf32> -> vector<197x768xf32>
    %get3A_173 = arith.constant 0 : index
    %get3A_174 = arith.constant 0 : index
    %get3A_175 = vector.load %arg18[%get3A_173, %get3A_174] : memref<1x768xf32, #tpu.memory_space<vmem>>, vector<1x768xf32>
    %add3A_176 = vector.broadcast %get3A_175 : vector<1x768xf32> to vector<197x768xf32>
    %add3A_177 = arith.addf %dot_general3A_172, %add3A_176 : vector<197x768xf32>
    %mul3A_178 = arith.constant 1.250000e-01 : f32
    %mul3A_179 = vector.broadcast %mul3A_178 : f32 to vector<197x768xf32>
    %mul3A_180 = arith.mulf %add3A_177, %mul3A_179 : vector<197x768xf32>
    %convert_element_type3A_181 = arith.truncf %mul3A_180 : vector<197x768xf32> to vector<197x768xbf16>
    %get3A_182 = arith.constant 0 : index
    %get3A_183 = arith.constant 0 : index
    %get3A_184 = vector.load %arg15[%get3A_182, %get3A_183] : memref<768x768xbf16, #tpu.memory_space<vmem>>, vector<768x768xbf16>
    %dot_general3A_185 = arith.constant dense<0.000000e+00> : vector<197x768xf32>
    %dot_general3A_186 = tpu.matmul %convert_element_type3A_167, %get3A_184, %dot_general3A_185 {dimension_numbers = #tpu.dot_dimension_numbers<[1], [0], [0], [1], [0, 0, 1, 1], [], []>, transpose_lhs_hint = false} : vector<197x768xbf16>, vector<768x768xbf16>, vector<197x768xf32> -> vector<197x768xf32>
    %get3A_187 = arith.constant 0 : index
    %get3A_188 = arith.constant 0 : index
    %get3A_189 = vector.load %arg19[%get3A_187, %get3A_188] : memref<1x768xf32, #tpu.memory_space<vmem>>, vector<1x768xf32>
    %add3A_190 = vector.broadcast %get3A_189 : vector<1x768xf32> to vector<197x768xf32>
    %add3A_191 = arith.addf %dot_general3A_186, %add3A_190 : vector<197x768xf32>
    %convert_element_type3A_192 = arith.truncf %add3A_191 : vector<197x768xf32> to vector<197x768xbf16>
    %get3A_193 = arith.constant 0 : index
    %get3A_194 = arith.constant 0 : index
    %get3A_195 = vector.load %arg16[%get3A_193, %get3A_194] : memref<768x768xbf16, #tpu.memory_space<vmem>>, vector<768x768xbf16>
    %dot_general3A_196 = arith.constant dense<0.000000e+00> : vector<197x768xf32>
    %dot_general3A_197 = tpu.matmul %convert_element_type3A_167, %get3A_195, %dot_general3A_196 {dimension_numbers = #tpu.dot_dimension_numbers<[1], [0], [0], [1], [0, 0, 1, 1], [], []>, transpose_lhs_hint = false} : vector<197x768xbf16>, vector<768x768xbf16>, vector<197x768xf32> -> vector<197x768xf32>
    %get3A_198 = arith.constant 0 : index
    %get3A_199 = arith.constant 0 : index
    %get3A_200 = vector.load %arg20[%get3A_198, %get3A_199] : memref<1x768xf32, #tpu.memory_space<vmem>>, vector<1x768xf32>
    %add3A_201 = vector.broadcast %get3A_200 : vector<1x768xf32> to vector<197x768xf32>
    %add3A_202 = arith.addf %dot_general3A_197, %add3A_201 : vector<197x768xf32>
    %convert_element_type3A_203 = arith.truncf %add3A_202 : vector<197x768xf32> to vector<197x768xbf16>
    %slice3A_204 = vector.extract_strided_slice %convert_element_type3A_181 {offsets = [0, 0], sizes = [197, 64], strides = [1, 1]} : vector<197x768xbf16> to vector<197x64xbf16>
    %slice3A_205 = vector.extract_strided_slice %convert_element_type3A_192 {offsets = [0, 0], sizes = [197, 64], strides = [1, 1]} : vector<197x768xbf16> to vector<197x64xbf16>
    %dot_general3A_206 = arith.constant dense<0.000000e+00> : vector<197x197xf32>
    %dot_general3A_207 = tpu.matmul %slice3A_204, %slice3A_205, %dot_general3A_206 {dimension_numbers = #tpu.dot_dimension_numbers<[1], [1], [0], [0], [0, 0, 1, 0], [], []>, transpose_lhs_hint = false} : vector<197x64xbf16>, vector<197x64xbf16>, vector<197x197xf32> -> vector<197x197xf32>
    %exp3A = math.exp %dot_general3A_207 : vector<197x197xf32>
    %slice3A_208 = vector.extract_strided_slice %convert_element_type3A_181 {offsets = [0, 64], sizes = [197, 64], strides = [1, 1]} : vector<197x768xbf16> to vector<197x64xbf16>
    %slice3A_209 = vector.extract_strided_slice %convert_element_type3A_192 {offsets = [0, 64], sizes = [197, 64], strides = [1, 1]} : vector<197x768xbf16> to vector<197x64xbf16>
    %dot_general3A_210 = arith.constant dense<0.000000e+00> : vector<197x197xf32>
    %dot_general3A_211 = tpu.matmul %slice3A_208, %slice3A_209, %dot_general3A_210 {dimension_numbers = #tpu.dot_dimension_numbers<[1], [1], [0], [0], [0, 0, 1, 0], [], []>, transpose_lhs_hint = false} : vector<197x64xbf16>, vector<197x64xbf16>, vector<197x197xf32> -> vector<197x197xf32>
    %exp3A_212 = math.exp %dot_general3A_211 : vector<197x197xf32>
    %slice3A_213 = vector.extract_strided_slice %convert_element_type3A_181 {offsets = [0, 128], sizes = [197, 64], strides = [1, 1]} : vector<197x768xbf16> to vector<197x64xbf16>
    %slice3A_214 = vector.extract_strided_slice %convert_element_type3A_192 {offsets = [0, 128], sizes = [197, 64], strides = [1, 1]} : vector<197x768xbf16> to vector<197x64xbf16>
    %dot_general3A_215 = arith.constant dense<0.000000e+00> : vector<197x197xf32>
    %dot_general3A_216 = tpu.matmul %slice3A_213, %slice3A_214, %dot_general3A_215 {dimension_numbers = #tpu.dot_dimension_numbers<[1], [1], [0], [0], [0, 0, 1, 0], [], []>, transpose_lhs_hint = false} : vector<197x64xbf16>, vector<197x64xbf16>, vector<197x197xf32> -> vector<197x197xf32>
    %exp3A_217 = math.exp %dot_general3A_216 : vector<197x197xf32>
    %slice3A_218 = vector.extract_strided_slice %convert_element_type3A_181 {offsets = [0, 192], sizes = [197, 64], strides = [1, 1]} : vector<197x768xbf16> to vector<197x64xbf16>
    %slice3A_219 = vector.extract_strided_slice %convert_element_type3A_192 {offsets = [0, 192], sizes = [197, 64], strides = [1, 1]} : vector<197x768xbf16> to vector<197x64xbf16>
    %dot_general3A_220 = arith.constant dense<0.000000e+00> : vector<197x197xf32>
    %dot_general3A_221 = tpu.matmul %slice3A_218, %slice3A_219, %dot_general3A_220 {dimension_numbers = #tpu.dot_dimension_numbers<[1], [1], [0], [0], [0, 0, 1, 0], [], []>, transpose_lhs_hint = false} : vector<197x64xbf16>, vector<197x64xbf16>, vector<197x197xf32> -> vector<197x197xf32>
    %exp3A_222 = math.exp %dot_general3A_221 : vector<197x197xf32>
    %slice3A_223 = vector.extract_strided_slice %convert_element_type3A_181 {offsets = [0, 256], sizes = [197, 64], strides = [1, 1]} : vector<197x768xbf16> to vector<197x64xbf16>
    %slice3A_224 = vector.extract_strided_slice %convert_element_type3A_192 {offsets = [0, 256], sizes = [197, 64], strides = [1, 1]} : vector<197x768xbf16> to vector<197x64xbf16>
    %dot_general3A_225 = arith.constant dense<0.000000e+00> : vector<197x197xf32>
    %dot_general3A_226 = tpu.matmul %slice3A_223, %slice3A_224, %dot_general3A_225 {dimension_numbers = #tpu.dot_dimension_numbers<[1], [1], [0], [0], [0, 0, 1, 0], [], []>, transpose_lhs_hint = false} : vector<197x64xbf16>, vector<197x64xbf16>, vector<197x197xf32> -> vector<197x197xf32>
    %exp3A_227 = math.exp %dot_general3A_226 : vector<197x197xf32>
    %slice3A_228 = vector.extract_strided_slice %convert_element_type3A_181 {offsets = [0, 320], sizes = [197, 64], strides = [1, 1]} : vector<197x768xbf16> to vector<197x64xbf16>
    %slice3A_229 = vector.extract_strided_slice %convert_element_type3A_192 {offsets = [0, 320], sizes = [197, 64], strides = [1, 1]} : vector<197x768xbf16> to vector<197x64xbf16>
    %dot_general3A_230 = arith.constant dense<0.000000e+00> : vector<197x197xf32>
    %dot_general3A_231 = tpu.matmul %slice3A_228, %slice3A_229, %dot_general3A_230 {dimension_numbers = #tpu.dot_dimension_numbers<[1], [1], [0], [0], [0, 0, 1, 0], [], []>, transpose_lhs_hint = false} : vector<197x64xbf16>, vector<197x64xbf16>, vector<197x197xf32> -> vector<197x197xf32>
    %exp3A_232 = math.exp %dot_general3A_231 : vector<197x197xf32>
    %slice3A_233 = vector.extract_strided_slice %convert_element_type3A_181 {offsets = [0, 384], sizes = [197, 64], strides = [1, 1]} : vector<197x768xbf16> to vector<197x64xbf16>
    %slice3A_234 = vector.extract_strided_slice %convert_element_type3A_192 {offsets = [0, 384], sizes = [197, 64], strides = [1, 1]} : vector<197x768xbf16> to vector<197x64xbf16>
    %dot_general3A_235 = arith.constant dense<0.000000e+00> : vector<197x197xf32>
    %dot_general3A_236 = tpu.matmul %slice3A_233, %slice3A_234, %dot_general3A_235 {dimension_numbers = #tpu.dot_dimension_numbers<[1], [1], [0], [0], [0, 0, 1, 0], [], []>, transpose_lhs_hint = false} : vector<197x64xbf16>, vector<197x64xbf16>, vector<197x197xf32> -> vector<197x197xf32>
    %exp3A_237 = math.exp %dot_general3A_236 : vector<197x197xf32>
    %slice3A_238 = vector.extract_strided_slice %convert_element_type3A_181 {offsets = [0, 448], sizes = [197, 64], strides = [1, 1]} : vector<197x768xbf16> to vector<197x64xbf16>
    %slice3A_239 = vector.extract_strided_slice %convert_element_type3A_192 {offsets = [0, 448], sizes = [197, 64], strides = [1, 1]} : vector<197x768xbf16> to vector<197x64xbf16>
    %dot_general3A_240 = arith.constant dense<0.000000e+00> : vector<197x197xf32>
    %dot_general3A_241 = tpu.matmul %slice3A_238, %slice3A_239, %dot_general3A_240 {dimension_numbers = #tpu.dot_dimension_numbers<[1], [1], [0], [0], [0, 0, 1, 0], [], []>, transpose_lhs_hint = false} : vector<197x64xbf16>, vector<197x64xbf16>, vector<197x197xf32> -> vector<197x197xf32>
    %exp3A_242 = math.exp %dot_general3A_241 : vector<197x197xf32>
    %slice3A_243 = vector.extract_strided_slice %convert_element_type3A_181 {offsets = [0, 512], sizes = [197, 64], strides = [1, 1]} : vector<197x768xbf16> to vector<197x64xbf16>
    %slice3A_244 = vector.extract_strided_slice %convert_element_type3A_192 {offsets = [0, 512], sizes = [197, 64], strides = [1, 1]} : vector<197x768xbf16> to vector<197x64xbf16>
    %dot_general3A_245 = arith.constant dense<0.000000e+00> : vector<197x197xf32>
    %dot_general3A_246 = tpu.matmul %slice3A_243, %slice3A_244, %dot_general3A_245 {dimension_numbers = #tpu.dot_dimension_numbers<[1], [1], [0], [0], [0, 0, 1, 0], [], []>, transpose_lhs_hint = false} : vector<197x64xbf16>, vector<197x64xbf16>, vector<197x197xf32> -> vector<197x197xf32>
    %exp3A_247 = math.exp %dot_general3A_246 : vector<197x197xf32>
    %slice3A_248 = vector.extract_strided_slice %convert_element_type3A_181 {offsets = [0, 576], sizes = [197, 64], strides = [1, 1]} : vector<197x768xbf16> to vector<197x64xbf16>
    %slice3A_249 = vector.extract_strided_slice %convert_element_type3A_192 {offsets = [0, 576], sizes = [197, 64], strides = [1, 1]} : vector<197x768xbf16> to vector<197x64xbf16>
    %dot_general3A_250 = arith.constant dense<0.000000e+00> : vector<197x197xf32>
    %dot_general3A_251 = tpu.matmul %slice3A_248, %slice3A_249, %dot_general3A_250 {dimension_numbers = #tpu.dot_dimension_numbers<[1], [1], [0], [0], [0, 0, 1, 0], [], []>, transpose_lhs_hint = false} : vector<197x64xbf16>, vector<197x64xbf16>, vector<197x197xf32> -> vector<197x197xf32>
    %exp3A_252 = math.exp %dot_general3A_251 : vector<197x197xf32>
    %slice3A_253 = vector.extract_strided_slice %convert_element_type3A_181 {offsets = [0, 640], sizes = [197, 64], strides = [1, 1]} : vector<197x768xbf16> to vector<197x64xbf16>
    %slice3A_254 = vector.extract_strided_slice %convert_element_type3A_192 {offsets = [0, 640], sizes = [197, 64], strides = [1, 1]} : vector<197x768xbf16> to vector<197x64xbf16>
    %dot_general3A_255 = arith.constant dense<0.000000e+00> : vector<197x197xf32>
    %dot_general3A_256 = tpu.matmul %slice3A_253, %slice3A_254, %dot_general3A_255 {dimension_numbers = #tpu.dot_dimension_numbers<[1], [1], [0], [0], [0, 0, 1, 0], [], []>, transpose_lhs_hint = false} : vector<197x64xbf16>, vector<197x64xbf16>, vector<197x197xf32> -> vector<197x197xf32>
    %exp3A_257 = math.exp %dot_general3A_256 : vector<197x197xf32>
    %slice3A_258 = vector.extract_strided_slice %convert_element_type3A_181 {offsets = [0, 704], sizes = [197, 64], strides = [1, 1]} : vector<197x768xbf16> to vector<197x64xbf16>
    %slice3A_259 = vector.extract_strided_slice %convert_element_type3A_192 {offsets = [0, 704], sizes = [197, 64], strides = [1, 1]} : vector<197x768xbf16> to vector<197x64xbf16>
    %dot_general3A_260 = arith.constant dense<0.000000e+00> : vector<197x197xf32>
    %dot_general3A_261 = tpu.matmul %slice3A_258, %slice3A_259, %dot_general3A_260 {dimension_numbers = #tpu.dot_dimension_numbers<[1], [1], [0], [0], [0, 0, 1, 0], [], []>, transpose_lhs_hint = false} : vector<197x64xbf16>, vector<197x64xbf16>, vector<197x197xf32> -> vector<197x197xf32>
    %exp3A_262 = math.exp %dot_general3A_261 : vector<197x197xf32>
    %reduce_sum3A_263 = arith.constant dense<0.000000e+00> : vector<197xf32>
    %reduce_sum3A_264 = vector.multi_reduction <add>, %exp3A, %reduce_sum3A_263 [1] : vector<197x197xf32> to vector<197xf32>
    %broadcast_in_dim3A_265 = vector.shape_cast %reduce_sum3A_264 : vector<197xf32> to vector<197x1xf32>
    %div3A_266 = arith.constant 1.000000e+00 : f32
    %div3A_267 = vector.broadcast %div3A_266 : f32 to vector<197x1xf32>
    %div3A_268 = arith.divf %div3A_267, %broadcast_in_dim3A_265 : vector<197x1xf32>
    %convert_element_type3A_269 = arith.truncf %exp3A : vector<197x197xf32> to vector<197x197xbf16>
    %slice3A_270 = vector.extract_strided_slice %convert_element_type3A_203 {offsets = [0, 0], sizes = [197, 64], strides = [1, 1]} : vector<197x768xbf16> to vector<197x64xbf16>
    %dot_general3A_271 = arith.constant dense<0.000000e+00> : vector<197x64xf32>
    %dot_general3A_272 = tpu.matmul %convert_element_type3A_269, %slice3A_270, %dot_general3A_271 {dimension_numbers = #tpu.dot_dimension_numbers<[1], [0], [0], [1], [0, 0, 1, 1], [], []>, transpose_lhs_hint = false} : vector<197x197xbf16>, vector<197x64xbf16>, vector<197x64xf32> -> vector<197x64xf32>
    %mul3A_273 = vector.broadcast %div3A_268 : vector<197x1xf32> to vector<197x64xf32>
    %mul3A_274 = arith.mulf %dot_general3A_272, %mul3A_273 : vector<197x64xf32>
    %convert_element_type3A_275 = arith.truncf %mul3A_274 : vector<197x64xf32> to vector<197x64xbf16>
    %reduce_sum3A_276 = arith.constant dense<0.000000e+00> : vector<197xf32>
    %reduce_sum3A_277 = vector.multi_reduction <add>, %exp3A_212, %reduce_sum3A_276 [1] : vector<197x197xf32> to vector<197xf32>
    %broadcast_in_dim3A_278 = vector.shape_cast %reduce_sum3A_277 : vector<197xf32> to vector<197x1xf32>
    %div3A_279 = arith.constant 1.000000e+00 : f32
    %div3A_280 = vector.broadcast %div3A_279 : f32 to vector<197x1xf32>
    %div3A_281 = arith.divf %div3A_280, %broadcast_in_dim3A_278 : vector<197x1xf32>
    %convert_element_type3A_282 = arith.truncf %exp3A_212 : vector<197x197xf32> to vector<197x197xbf16>
    %slice3A_283 = vector.extract_strided_slice %convert_element_type3A_203 {offsets = [0, 64], sizes = [197, 64], strides = [1, 1]} : vector<197x768xbf16> to vector<197x64xbf16>
    %dot_general3A_284 = arith.constant dense<0.000000e+00> : vector<197x64xf32>
    %dot_general3A_285 = tpu.matmul %convert_element_type3A_282, %slice3A_283, %dot_general3A_284 {dimension_numbers = #tpu.dot_dimension_numbers<[1], [0], [0], [1], [0, 0, 1, 1], [], []>, transpose_lhs_hint = false} : vector<197x197xbf16>, vector<197x64xbf16>, vector<197x64xf32> -> vector<197x64xf32>
    %mul3A_286 = vector.broadcast %div3A_281 : vector<197x1xf32> to vector<197x64xf32>
    %mul3A_287 = arith.mulf %dot_general3A_285, %mul3A_286 : vector<197x64xf32>
    %convert_element_type3A_288 = arith.truncf %mul3A_287 : vector<197x64xf32> to vector<197x64xbf16>
    %reduce_sum3A_289 = arith.constant dense<0.000000e+00> : vector<197xf32>
    %reduce_sum3A_290 = vector.multi_reduction <add>, %exp3A_217, %reduce_sum3A_289 [1] : vector<197x197xf32> to vector<197xf32>
    %broadcast_in_dim3A_291 = vector.shape_cast %reduce_sum3A_290 : vector<197xf32> to vector<197x1xf32>
    %div3A_292 = arith.constant 1.000000e+00 : f32
    %div3A_293 = vector.broadcast %div3A_292 : f32 to vector<197x1xf32>
    %div3A_294 = arith.divf %div3A_293, %broadcast_in_dim3A_291 : vector<197x1xf32>
    %convert_element_type3A_295 = arith.truncf %exp3A_217 : vector<197x197xf32> to vector<197x197xbf16>
    %slice3A_296 = vector.extract_strided_slice %convert_element_type3A_203 {offsets = [0, 128], sizes = [197, 64], strides = [1, 1]} : vector<197x768xbf16> to vector<197x64xbf16>
    %dot_general3A_297 = arith.constant dense<0.000000e+00> : vector<197x64xf32>
    %dot_general3A_298 = tpu.matmul %convert_element_type3A_295, %slice3A_296, %dot_general3A_297 {dimension_numbers = #tpu.dot_dimension_numbers<[1], [0], [0], [1], [0, 0, 1, 1], [], []>, transpose_lhs_hint = false} : vector<197x197xbf16>, vector<197x64xbf16>, vector<197x64xf32> -> vector<197x64xf32>
    %mul3A_299 = vector.broadcast %div3A_294 : vector<197x1xf32> to vector<197x64xf32>
    %mul3A_300 = arith.mulf %dot_general3A_298, %mul3A_299 : vector<197x64xf32>
    %convert_element_type3A_301 = arith.truncf %mul3A_300 : vector<197x64xf32> to vector<197x64xbf16>
    %reduce_sum3A_302 = arith.constant dense<0.000000e+00> : vector<197xf32>
    %reduce_sum3A_303 = vector.multi_reduction <add>, %exp3A_222, %reduce_sum3A_302 [1] : vector<197x197xf32> to vector<197xf32>
    %broadcast_in_dim3A_304 = vector.shape_cast %reduce_sum3A_303 : vector<197xf32> to vector<197x1xf32>
    %div3A_305 = arith.constant 1.000000e+00 : f32
    %div3A_306 = vector.broadcast %div3A_305 : f32 to vector<197x1xf32>
    %div3A_307 = arith.divf %div3A_306, %broadcast_in_dim3A_304 : vector<197x1xf32>
    %convert_element_type3A_308 = arith.truncf %exp3A_222 : vector<197x197xf32> to vector<197x197xbf16>
    %slice3A_309 = vector.extract_strided_slice %convert_element_type3A_203 {offsets = [0, 192], sizes = [197, 64], strides = [1, 1]} : vector<197x768xbf16> to vector<197x64xbf16>
    %dot_general3A_310 = arith.constant dense<0.000000e+00> : vector<197x64xf32>
    %dot_general3A_311 = tpu.matmul %convert_element_type3A_308, %slice3A_309, %dot_general3A_310 {dimension_numbers = #tpu.dot_dimension_numbers<[1], [0], [0], [1], [0, 0, 1, 1], [], []>, transpose_lhs_hint = false} : vector<197x197xbf16>, vector<197x64xbf16>, vector<197x64xf32> -> vector<197x64xf32>
    %mul3A_312 = vector.broadcast %div3A_307 : vector<197x1xf32> to vector<197x64xf32>
    %mul3A_313 = arith.mulf %dot_general3A_311, %mul3A_312 : vector<197x64xf32>
    %convert_element_type3A_314 = arith.truncf %mul3A_313 : vector<197x64xf32> to vector<197x64xbf16>
    %reduce_sum3A_315 = arith.constant dense<0.000000e+00> : vector<197xf32>
    %reduce_sum3A_316 = vector.multi_reduction <add>, %exp3A_227, %reduce_sum3A_315 [1] : vector<197x197xf32> to vector<197xf32>
    %broadcast_in_dim3A_317 = vector.shape_cast %reduce_sum3A_316 : vector<197xf32> to vector<197x1xf32>
    %div3A_318 = arith.constant 1.000000e+00 : f32
    %div3A_319 = vector.broadcast %div3A_318 : f32 to vector<197x1xf32>
    %div3A_320 = arith.divf %div3A_319, %broadcast_in_dim3A_317 : vector<197x1xf32>
    %convert_element_type3A_321 = arith.truncf %exp3A_227 : vector<197x197xf32> to vector<197x197xbf16>
    %slice3A_322 = vector.extract_strided_slice %convert_element_type3A_203 {offsets = [0, 256], sizes = [197, 64], strides = [1, 1]} : vector<197x768xbf16> to vector<197x64xbf16>
    %dot_general3A_323 = arith.constant dense<0.000000e+00> : vector<197x64xf32>
    %dot_general3A_324 = tpu.matmul %convert_element_type3A_321, %slice3A_322, %dot_general3A_323 {dimension_numbers = #tpu.dot_dimension_numbers<[1], [0], [0], [1], [0, 0, 1, 1], [], []>, transpose_lhs_hint = false} : vector<197x197xbf16>, vector<197x64xbf16>, vector<197x64xf32> -> vector<197x64xf32>
    %mul3A_325 = vector.broadcast %div3A_320 : vector<197x1xf32> to vector<197x64xf32>
    %mul3A_326 = arith.mulf %dot_general3A_324, %mul3A_325 : vector<197x64xf32>
    %convert_element_type3A_327 = arith.truncf %mul3A_326 : vector<197x64xf32> to vector<197x64xbf16>
    %reduce_sum3A_328 = arith.constant dense<0.000000e+00> : vector<197xf32>
    %reduce_sum3A_329 = vector.multi_reduction <add>, %exp3A_232, %reduce_sum3A_328 [1] : vector<197x197xf32> to vector<197xf32>
    %broadcast_in_dim3A_330 = vector.shape_cast %reduce_sum3A_329 : vector<197xf32> to vector<197x1xf32>
    %div3A_331 = arith.constant 1.000000e+00 : f32
    %div3A_332 = vector.broadcast %div3A_331 : f32 to vector<197x1xf32>
    %div3A_333 = arith.divf %div3A_332, %broadcast_in_dim3A_330 : vector<197x1xf32>
    %convert_element_type3A_334 = arith.truncf %exp3A_232 : vector<197x197xf32> to vector<197x197xbf16>
    %slice3A_335 = vector.extract_strided_slice %convert_element_type3A_203 {offsets = [0, 320], sizes = [197, 64], strides = [1, 1]} : vector<197x768xbf16> to vector<197x64xbf16>
    %dot_general3A_336 = arith.constant dense<0.000000e+00> : vector<197x64xf32>
    %dot_general3A_337 = tpu.matmul %convert_element_type3A_334, %slice3A_335, %dot_general3A_336 {dimension_numbers = #tpu.dot_dimension_numbers<[1], [0], [0], [1], [0, 0, 1, 1], [], []>, transpose_lhs_hint = false} : vector<197x197xbf16>, vector<197x64xbf16>, vector<197x64xf32> -> vector<197x64xf32>
    %mul3A_338 = vector.broadcast %div3A_333 : vector<197x1xf32> to vector<197x64xf32>
    %mul3A_339 = arith.mulf %dot_general3A_337, %mul3A_338 : vector<197x64xf32>
    %convert_element_type3A_340 = arith.truncf %mul3A_339 : vector<197x64xf32> to vector<197x64xbf16>
    %reduce_sum3A_341 = arith.constant dense<0.000000e+00> : vector<197xf32>
    %reduce_sum3A_342 = vector.multi_reduction <add>, %exp3A_237, %reduce_sum3A_341 [1] : vector<197x197xf32> to vector<197xf32>
    %broadcast_in_dim3A_343 = vector.shape_cast %reduce_sum3A_342 : vector<197xf32> to vector<197x1xf32>
    %div3A_344 = arith.constant 1.000000e+00 : f32
    %div3A_345 = vector.broadcast %div3A_344 : f32 to vector<197x1xf32>
    %div3A_346 = arith.divf %div3A_345, %broadcast_in_dim3A_343 : vector<197x1xf32>
    %convert_element_type3A_347 = arith.truncf %exp3A_237 : vector<197x197xf32> to vector<197x197xbf16>
    %slice3A_348 = vector.extract_strided_slice %convert_element_type3A_203 {offsets = [0, 384], sizes = [197, 64], strides = [1, 1]} : vector<197x768xbf16> to vector<197x64xbf16>
    %dot_general3A_349 = arith.constant dense<0.000000e+00> : vector<197x64xf32>
    %dot_general3A_350 = tpu.matmul %convert_element_type3A_347, %slice3A_348, %dot_general3A_349 {dimension_numbers = #tpu.dot_dimension_numbers<[1], [0], [0], [1], [0, 0, 1, 1], [], []>, transpose_lhs_hint = false} : vector<197x197xbf16>, vector<197x64xbf16>, vector<197x64xf32> -> vector<197x64xf32>
    %mul3A_351 = vector.broadcast %div3A_346 : vector<197x1xf32> to vector<197x64xf32>
    %mul3A_352 = arith.mulf %dot_general3A_350, %mul3A_351 : vector<197x64xf32>
    %convert_element_type3A_353 = arith.truncf %mul3A_352 : vector<197x64xf32> to vector<197x64xbf16>
    %reduce_sum3A_354 = arith.constant dense<0.000000e+00> : vector<197xf32>
    %reduce_sum3A_355 = vector.multi_reduction <add>, %exp3A_242, %reduce_sum3A_354 [1] : vector<197x197xf32> to vector<197xf32>
    %broadcast_in_dim3A_356 = vector.shape_cast %reduce_sum3A_355 : vector<197xf32> to vector<197x1xf32>
    %div3A_357 = arith.constant 1.000000e+00 : f32
    %div3A_358 = vector.broadcast %div3A_357 : f32 to vector<197x1xf32>
    %div3A_359 = arith.divf %div3A_358, %broadcast_in_dim3A_356 : vector<197x1xf32>
    %convert_element_type3A_360 = arith.truncf %exp3A_242 : vector<197x197xf32> to vector<197x197xbf16>
    %slice3A_361 = vector.extract_strided_slice %convert_element_type3A_203 {offsets = [0, 448], sizes = [197, 64], strides = [1, 1]} : vector<197x768xbf16> to vector<197x64xbf16>
    %dot_general3A_362 = arith.constant dense<0.000000e+00> : vector<197x64xf32>
    %dot_general3A_363 = tpu.matmul %convert_element_type3A_360, %slice3A_361, %dot_general3A_362 {dimension_numbers = #tpu.dot_dimension_numbers<[1], [0], [0], [1], [0, 0, 1, 1], [], []>, transpose_lhs_hint = false} : vector<197x197xbf16>, vector<197x64xbf16>, vector<197x64xf32> -> vector<197x64xf32>
    %mul3A_364 = vector.broadcast %div3A_359 : vector<197x1xf32> to vector<197x64xf32>
    %mul3A_365 = arith.mulf %dot_general3A_363, %mul3A_364 : vector<197x64xf32>
    %convert_element_type3A_366 = arith.truncf %mul3A_365 : vector<197x64xf32> to vector<197x64xbf16>
    %reduce_sum3A_367 = arith.constant dense<0.000000e+00> : vector<197xf32>
    %reduce_sum3A_368 = vector.multi_reduction <add>, %exp3A_247, %reduce_sum3A_367 [1] : vector<197x197xf32> to vector<197xf32>
    %broadcast_in_dim3A_369 = vector.shape_cast %reduce_sum3A_368 : vector<197xf32> to vector<197x1xf32>
    %div3A_370 = arith.constant 1.000000e+00 : f32
    %div3A_371 = vector.broadcast %div3A_370 : f32 to vector<197x1xf32>
    %div3A_372 = arith.divf %div3A_371, %broadcast_in_dim3A_369 : vector<197x1xf32>
    %convert_element_type3A_373 = arith.truncf %exp3A_247 : vector<197x197xf32> to vector<197x197xbf16>
    %slice3A_374 = vector.extract_strided_slice %convert_element_type3A_203 {offsets = [0, 512], sizes = [197, 64], strides = [1, 1]} : vector<197x768xbf16> to vector<197x64xbf16>
    %dot_general3A_375 = arith.constant dense<0.000000e+00> : vector<197x64xf32>
    %dot_general3A_376 = tpu.matmul %convert_element_type3A_373, %slice3A_374, %dot_general3A_375 {dimension_numbers = #tpu.dot_dimension_numbers<[1], [0], [0], [1], [0, 0, 1, 1], [], []>, transpose_lhs_hint = false} : vector<197x197xbf16>, vector<197x64xbf16>, vector<197x64xf32> -> vector<197x64xf32>
    %mul3A_377 = vector.broadcast %div3A_372 : vector<197x1xf32> to vector<197x64xf32>
    %mul3A_378 = arith.mulf %dot_general3A_376, %mul3A_377 : vector<197x64xf32>
    %convert_element_type3A_379 = arith.truncf %mul3A_378 : vector<197x64xf32> to vector<197x64xbf16>
    %reduce_sum3A_380 = arith.constant dense<0.000000e+00> : vector<197xf32>
    %reduce_sum3A_381 = vector.multi_reduction <add>, %exp3A_252, %reduce_sum3A_380 [1] : vector<197x197xf32> to vector<197xf32>
    %broadcast_in_dim3A_382 = vector.shape_cast %reduce_sum3A_381 : vector<197xf32> to vector<197x1xf32>
    %div3A_383 = arith.constant 1.000000e+00 : f32
    %div3A_384 = vector.broadcast %div3A_383 : f32 to vector<197x1xf32>
    %div3A_385 = arith.divf %div3A_384, %broadcast_in_dim3A_382 : vector<197x1xf32>
    %convert_element_type3A_386 = arith.truncf %exp3A_252 : vector<197x197xf32> to vector<197x197xbf16>
    %slice3A_387 = vector.extract_strided_slice %convert_element_type3A_203 {offsets = [0, 576], sizes = [197, 64], strides = [1, 1]} : vector<197x768xbf16> to vector<197x64xbf16>
    %dot_general3A_388 = arith.constant dense<0.000000e+00> : vector<197x64xf32>
    %dot_general3A_389 = tpu.matmul %convert_element_type3A_386, %slice3A_387, %dot_general3A_388 {dimension_numbers = #tpu.dot_dimension_numbers<[1], [0], [0], [1], [0, 0, 1, 1], [], []>, transpose_lhs_hint = false} : vector<197x197xbf16>, vector<197x64xbf16>, vector<197x64xf32> -> vector<197x64xf32>
    %mul3A_390 = vector.broadcast %div3A_385 : vector<197x1xf32> to vector<197x64xf32>
    %mul3A_391 = arith.mulf %dot_general3A_389, %mul3A_390 : vector<197x64xf32>
    %convert_element_type3A_392 = arith.truncf %mul3A_391 : vector<197x64xf32> to vector<197x64xbf16>
    %reduce_sum3A_393 = arith.constant dense<0.000000e+00> : vector<197xf32>
    %reduce_sum3A_394 = vector.multi_reduction <add>, %exp3A_257, %reduce_sum3A_393 [1] : vector<197x197xf32> to vector<197xf32>
    %broadcast_in_dim3A_395 = vector.shape_cast %reduce_sum3A_394 : vector<197xf32> to vector<197x1xf32>
    %div3A_396 = arith.constant 1.000000e+00 : f32
    %div3A_397 = vector.broadcast %div3A_396 : f32 to vector<197x1xf32>
    %div3A_398 = arith.divf %div3A_397, %broadcast_in_dim3A_395 : vector<197x1xf32>
    %convert_element_type3A_399 = arith.truncf %exp3A_257 : vector<197x197xf32> to vector<197x197xbf16>
    %slice3A_400 = vector.extract_strided_slice %convert_element_type3A_203 {offsets = [0, 640], sizes = [197, 64], strides = [1, 1]} : vector<197x768xbf16> to vector<197x64xbf16>
    %dot_general3A_401 = arith.constant dense<0.000000e+00> : vector<197x64xf32>
    %dot_general3A_402 = tpu.matmul %convert_element_type3A_399, %slice3A_400, %dot_general3A_401 {dimension_numbers = #tpu.dot_dimension_numbers<[1], [0], [0], [1], [0, 0, 1, 1], [], []>, transpose_lhs_hint = false} : vector<197x197xbf16>, vector<197x64xbf16>, vector<197x64xf32> -> vector<197x64xf32>
    %mul3A_403 = vector.broadcast %div3A_398 : vector<197x1xf32> to vector<197x64xf32>
    %mul3A_404 = arith.mulf %dot_general3A_402, %mul3A_403 : vector<197x64xf32>
    %convert_element_type3A_405 = arith.truncf %mul3A_404 : vector<197x64xf32> to vector<197x64xbf16>
    %reduce_sum3A_406 = arith.constant dense<0.000000e+00> : vector<197xf32>
    %reduce_sum3A_407 = vector.multi_reduction <add>, %exp3A_262, %reduce_sum3A_406 [1] : vector<197x197xf32> to vector<197xf32>
    %broadcast_in_dim3A_408 = vector.shape_cast %reduce_sum3A_407 : vector<197xf32> to vector<197x1xf32>
    %div3A_409 = arith.constant 1.000000e+00 : f32
    %div3A_410 = vector.broadcast %div3A_409 : f32 to vector<197x1xf32>
    %div3A_411 = arith.divf %div3A_410, %broadcast_in_dim3A_408 : vector<197x1xf32>
    %convert_element_type3A_412 = arith.truncf %exp3A_262 : vector<197x197xf32> to vector<197x197xbf16>
    %slice3A_413 = vector.extract_strided_slice %convert_element_type3A_203 {offsets = [0, 704], sizes = [197, 64], strides = [1, 1]} : vector<197x768xbf16> to vector<197x64xbf16>
    %dot_general3A_414 = arith.constant dense<0.000000e+00> : vector<197x64xf32>
    %dot_general3A_415 = tpu.matmul %convert_element_type3A_412, %slice3A_413, %dot_general3A_414 {dimension_numbers = #tpu.dot_dimension_numbers<[1], [0], [0], [1], [0, 0, 1, 1], [], []>, transpose_lhs_hint = false} : vector<197x197xbf16>, vector<197x64xbf16>, vector<197x64xf32> -> vector<197x64xf32>
    %mul3A_416 = vector.broadcast %div3A_411 : vector<197x1xf32> to vector<197x64xf32>
    %mul3A_417 = arith.mulf %dot_general3A_415, %mul3A_416 : vector<197x64xf32>
    %convert_element_type3A_418 = arith.truncf %mul3A_417 : vector<197x64xf32> to vector<197x64xbf16>
    %concatenate3A_419 = tpu.concatenate %convert_element_type3A_275, %convert_element_type3A_288, %convert_element_type3A_301, %convert_element_type3A_314, %convert_element_type3A_327, %convert_element_type3A_340, %convert_element_type3A_353, %convert_element_type3A_366, %convert_element_type3A_379, %convert_element_type3A_392, %convert_element_type3A_405, %convert_element_type3A_418 in 1 : vector<197x64xbf16>, vector<197x64xbf16>, vector<197x64xbf16>, vector<197x64xbf16>, vector<197x64xbf16>, vector<197x64xbf16>, vector<197x64xbf16>, vector<197x64xbf16>, vector<197x64xbf16>, vector<197x64xbf16>, vector<197x64xbf16>, vector<197x64xbf16> -> vector<197x768xbf16>
    %get3A_420 = arith.constant 0 : index
    %get3A_421 = arith.constant 0 : index
    %get3A_422 = vector.load %arg17[%get3A_420, %get3A_421] : memref<768x768xbf16, #tpu.memory_space<vmem>>, vector<768x768xbf16>
    %dot_general3A_423 = arith.constant dense<0.000000e+00> : vector<197x768xf32>
    %dot_general3A_424 = tpu.matmul %concatenate3A_419, %get3A_422, %dot_general3A_423 {dimension_numbers = #tpu.dot_dimension_numbers<[1], [0], [0], [1], [0, 0, 1, 1], [], []>, transpose_lhs_hint = false} : vector<197x768xbf16>, vector<768x768xbf16>, vector<197x768xf32> -> vector<197x768xf32>
    %get3A_425 = arith.constant 0 : index
    %get3A_426 = arith.constant 0 : index
    %get3A_427 = vector.load %arg21[%get3A_425, %get3A_426] : memref<1x768xf32, #tpu.memory_space<vmem>>, vector<1x768xf32>
    %add3A_428 = vector.broadcast %get3A_427 : vector<1x768xf32> to vector<197x768xf32>
    %add3A_429 = arith.addf %dot_general3A_424, %add3A_428 : vector<197x768xf32>
    %mul3A_430 = vector.broadcast %select_n3A : vector<197x1xf32> to vector<197x768xf32>
    %mul3A_431 = arith.mulf %mul3A_430, %add3A_429 : vector<197x768xf32>
    %add3A_432 = arith.addf %get3A_3, %mul3A_431 : vector<197x768xf32>
    %swap3A_433 = arith.constant 0 : index
    %swap3A_434 = arith.constant 0 : index
    %swap3A_435 = arith.constant 0 : index
    %swap3A_436 = vector.load %arg22[%swap3A_433, %swap3A_434, %swap3A_435] : memref<2x197x768xf32, #tpu.memory_space<vmem>>, vector<1x197x768xf32>
    %swap3A_437 = vector.shape_cast %swap3A_436 : vector<1x197x768xf32> to vector<197x768xf32>
    %swap3A_438 = vector.shape_cast %add3A_432 : vector<197x768xf32> to vector<1x197x768xf32>
    tpu.vector_store %arg22[%swap3A_433, %swap3A_434, %swap3A_435], %swap3A_438 {strides = array<i32>} : memref<2x197x768xf32, #tpu.memory_space<vmem>>, vector<1x197x768xf32>,
    %get3A_439 = arith.constant 1 : index
    %get3A_440 = arith.constant 0 : index
    %get3A_441 = arith.constant 0 : index
    %get3A_442 = vector.load %arg1[%get3A_439, %get3A_440, %get3A_441] : memref<2x197x768xf32, #tpu.memory_space<vmem>>, vector<1x197x768xf32>
    %get3A_443 = vector.shape_cast %get3A_442 : vector<1x197x768xf32> to vector<197x768xf32>
    %reduce_sum3A_444 = arith.constant dense<0.000000e+00> : vector<197xf32>
    %reduce_sum3A_445 = vector.multi_reduction <add>, %get3A_443, %reduce_sum3A_444 [1] : vector<197x768xf32> to vector<197xf32>
    %broadcast_in_dim3A_446 = vector.shape_cast %reduce_sum3A_445 : vector<197xf32> to vector<197x1xf32>
    %div3A_447 = arith.constant 7.680000e+02 : f32
    %div3A_448 = vector.broadcast %div3A_447 : f32 to vector<197x1xf32>
    %div3A_449 = arith.divf %broadcast_in_dim3A_446, %div3A_448 : vector<197x1xf32>
    %sub3A_450 = vector.broadcast %div3A_449 : vector<197x1xf32> to vector<197x768xf32>
    %sub3A_451 = arith.subf %get3A_443, %sub3A_450 : vector<197x768xf32>
    %integer_pow3A_452 = arith.mulf %sub3A_451, %sub3A_451 : vector<197x768xf32>
    %reduce_sum3A_453 = arith.constant dense<0.000000e+00> : vector<197xf32>
    %reduce_sum3A_454 = vector.multi_reduction <add>, %integer_pow3A_452, %reduce_sum3A_453 [1] : vector<197x768xf32> to vector<197xf32>
    %broadcast_in_dim3A_455 = vector.shape_cast %reduce_sum3A_454 : vector<197xf32> to vector<197x1xf32>
    %div3A_456 = arith.constant 7.680000e+02 : f32
    %div3A_457 = vector.broadcast %div3A_456 : f32 to vector<197x1xf32>
    %div3A_458 = arith.divf %broadcast_in_dim3A_455, %div3A_457 : vector<197x1xf32>
    %sub3A_459 = vector.broadcast %div3A_449 : vector<197x1xf32> to vector<197x768xf32>
    %sub3A_460 = arith.subf %get3A_443, %sub3A_459 : vector<197x768xf32>
    %add3A_461 = arith.constant 9.99999974E-6 : f32
    %add3A_462 = vector.broadcast %add3A_461 : f32 to vector<197x1xf32>
    %add3A_463 = arith.addf %div3A_458, %add3A_462 : vector<197x1xf32>
    %sqrt3A_464 = math.sqrt %add3A_463 : vector<197x1xf32>
    %div3A_465 = vector.broadcast %sqrt3A_464 : vector<197x1xf32> to vector<197x768xf32>
    %div3A_466 = arith.divf %sub3A_460, %div3A_465 : vector<197x768xf32>
    %get3A_467 = arith.constant 0 : index
    %get3A_468 = arith.constant 0 : index
    %get3A_469 = vector.load %arg2[%get3A_467, %get3A_468] : memref<1x768xf32, #tpu.memory_space<vmem>>, vector<1x768xf32>
    %mul3A_470 = vector.broadcast %get3A_469 : vector<1x768xf32> to vector<197x768xf32>
    %mul3A_471 = arith.mulf %div3A_466, %mul3A_470 : vector<197x768xf32>
    %get3A_472 = arith.constant 0 : index
    %get3A_473 = arith.constant 0 : index
    %get3A_474 = vector.load %arg3[%get3A_472, %get3A_473] : memref<1x768xf32, #tpu.memory_space<vmem>>, vector<1x768xf32>
    %add3A_475 = vector.broadcast %get3A_474 : vector<1x768xf32> to vector<197x768xf32>
    %add3A_476 = arith.addf %mul3A_471, %add3A_475 : vector<197x768xf32>
    %convert_element_type3A_477 = arith.truncf %add3A_476 : vector<197x768xf32> to vector<197x768xbf16>
    %get3A_478 = arith.constant 0 : index
    %get3A_479 = arith.constant 0 : index
    %get3A_480 = vector.load %arg4[%get3A_478, %get3A_479] : memref<768x512xbf16, #tpu.memory_space<vmem>>, vector<768x512xbf16>
    %dot_general3A_481 = arith.constant dense<0.000000e+00> : vector<197x512xf32>
    %dot_general3A_482 = tpu.matmul %convert_element_type3A_477, %get3A_480, %dot_general3A_481 {dimension_numbers = #tpu.dot_dimension_numbers<[1], [0], [0], [1], [0, 0, 1, 1], [], []>, transpose_lhs_hint = false} : vector<197x768xbf16>, vector<768x512xbf16>, vector<197x512xf32> -> vector<197x512xf32>
    %get3A_483 = arith.constant 0 : index
    %get3A_484 = arith.constant 0 : index
    %get3A_485 = vector.load %arg5[%get3A_483, %get3A_484] : memref<1x512xf32, #tpu.memory_space<vmem>>, vector<1x512xf32>
    %add3A_486 = vector.broadcast %get3A_485 : vector<1x512xf32> to vector<197x512xf32>
    %add3A_487 = arith.addf %dot_general3A_482, %add3A_486 : vector<197x512xf32>
    %integer_pow3A_488 = arith.mulf %add3A_487, %add3A_487 : vector<197x512xf32>
    %integer_pow3A_489 = arith.mulf %add3A_487, %integer_pow3A_488 : vector<197x512xf32>
    %mul3A_490 = arith.constant 4.471500e-02 : f32
    %mul3A_491 = vector.broadcast %mul3A_490 : f32 to vector<197x512xf32>
    %mul3A_492 = arith.mulf %mul3A_491, %integer_pow3A_489 : vector<197x512xf32>
    %add3A_493 = arith.addf %add3A_487, %mul3A_492 : vector<197x512xf32>
    %mul3A_494 = arith.constant 0.797884583 : f32
    %mul3A_495 = vector.broadcast %mul3A_494 : f32 to vector<197x512xf32>
    %mul3A_496 = arith.mulf %mul3A_495, %add3A_493 : vector<197x512xf32>
    %tanh3A_497 = math.tanh %mul3A_496 : vector<197x512xf32>
    %add3A_498 = arith.constant 1.000000e+00 : f32
    %add3A_499 = vector.broadcast %add3A_498 : f32 to vector<197x512xf32>
    %add3A_500 = arith.addf %add3A_499, %tanh3A_497 : vector<197x512xf32>
    %mul3A_501 = arith.constant 5.000000e-01 : f32
    %mul3A_502 = vector.broadcast %mul3A_501 : f32 to vector<197x512xf32>
    %mul3A_503 = arith.mulf %mul3A_502, %add3A_500 : vector<197x512xf32>
    %mul3A_504 = arith.mulf %add3A_487, %mul3A_503 : vector<197x512xf32>
    %reduce_sum3A_505 = arith.constant dense<0.000000e+00> : vector<512xf32>
    %reduce_sum3A_506 = vector.multi_reduction <add>, %mul3A_504, %reduce_sum3A_505 [0] : vector<197x512xf32> to vector<512xf32>
    %broadcast_in_dim3A_507 = vector.shape_cast %reduce_sum3A_506 : vector<512xf32> to vector<1x512xf32>
    %div3A_508 = arith.constant 1.970000e+02 : f32
    %div3A_509 = vector.broadcast %div3A_508 : f32 to vector<1x512xf32>
    %div3A_510 = arith.divf %broadcast_in_dim3A_507, %div3A_509 : vector<1x512xf32>
    %broadcast_in_dim3A_511 = vector.shape_cast %div3A_510 : vector<1x512xf32> to vector<1x512xf32>
    %broadcast_in_dim3A_512 = vector.broadcast %broadcast_in_dim3A_511 : vector<1x512xf32> to vector<197x512xf32>
    %concatenate3A_513 = tpu.concatenate %mul3A_504, %broadcast_in_dim3A_512 in 1 : vector<197x512xf32>, vector<197x512xf32> -> vector<197x1024xf32>
    %convert_element_type3A_514 = arith.truncf %concatenate3A_513 : vector<197x1024xf32> to vector<197x1024xbf16>
    %get3A_515 = arith.constant 0 : index
    %get3A_516 = arith.constant 0 : index
    %get3A_517 = vector.load %arg6[%get3A_515, %get3A_516] : memref<1024x512xbf16, #tpu.memory_space<vmem>>, vector<1024x512xbf16>
    %dot_general3A_518 = arith.constant dense<0.000000e+00> : vector<197x512xf32>
    %dot_general3A_519 = tpu.matmul %convert_element_type3A_514, %get3A_517, %dot_general3A_518 {dimension_numbers = #tpu.dot_dimension_numbers<[1], [0], [0], [1], [0, 0, 1, 1], [], []>, transpose_lhs_hint = false} : vector<197x1024xbf16>, vector<1024x512xbf16>, vector<197x512xf32> -> vector<197x512xf32>
    %get3A_520 = arith.constant 0 : index
    %get3A_521 = arith.constant 0 : index
    %get3A_522 = vector.load %arg7[%get3A_520, %get3A_521] : memref<1x512xf32, #tpu.memory_space<vmem>>, vector<1x512xf32>
    %add3A_523 = vector.broadcast %get3A_522 : vector<1x512xf32> to vector<197x512xf32>
    %add3A_524 = arith.addf %dot_general3A_519, %add3A_523 : vector<197x512xf32>
    %integer_pow3A_525 = arith.mulf %add3A_524, %add3A_524 : vector<197x512xf32>
    %integer_pow3A_526 = arith.mulf %add3A_524, %integer_pow3A_525 : vector<197x512xf32>
    %mul3A_527 = arith.constant 4.471500e-02 : f32
    %mul3A_528 = vector.broadcast %mul3A_527 : f32 to vector<197x512xf32>
    %mul3A_529 = arith.mulf %mul3A_528, %integer_pow3A_526 : vector<197x512xf32>
    %add3A_530 = arith.addf %add3A_524, %mul3A_529 : vector<197x512xf32>
    %mul3A_531 = arith.constant 0.797884583 : f32
    %mul3A_532 = vector.broadcast %mul3A_531 : f32 to vector<197x512xf32>
    %mul3A_533 = arith.mulf %mul3A_532, %add3A_530 : vector<197x512xf32>
    %tanh3A_534 = math.tanh %mul3A_533 : vector<197x512xf32>
    %add3A_535 = arith.constant 1.000000e+00 : f32
    %add3A_536 = vector.broadcast %add3A_535 : f32 to vector<197x512xf32>
    %add3A_537 = arith.addf %add3A_536, %tanh3A_534 : vector<197x512xf32>
    %mul3A_538 = arith.constant 5.000000e-01 : f32
    %mul3A_539 = vector.broadcast %mul3A_538 : f32 to vector<197x512xf32>
    %mul3A_540 = arith.mulf %mul3A_539, %add3A_537 : vector<197x512xf32>
    %mul3A_541 = arith.mulf %add3A_524, %mul3A_540 : vector<197x512xf32>
    %convert_element_type3A_542 = arith.truncf %mul3A_541 : vector<197x512xf32> to vector<197x512xbf16>
    %get3A_543 = arith.constant 0 : index
    %get3A_544 = arith.constant 0 : index
    %get3A_545 = vector.load %arg8[%get3A_543, %get3A_544] : memref<512x256xbf16, #tpu.memory_space<vmem>>, vector<512x256xbf16>
    %dot_general3A_546 = arith.constant dense<0.000000e+00> : vector<197x256xf32>
    %dot_general3A_547 = tpu.matmul %convert_element_type3A_542, %get3A_545, %dot_general3A_546 {dimension_numbers = #tpu.dot_dimension_numbers<[1], [0], [0], [1], [0, 0, 1, 1], [], []>, transpose_lhs_hint = false} : vector<197x512xbf16>, vector<512x256xbf16>, vector<197x256xf32> -> vector<197x256xf32>
    %get3A_548 = arith.constant 0 : index
    %get3A_549 = arith.constant 0 : index
    %get3A_550 = vector.load %arg9[%get3A_548, %get3A_549] : memref<1x256xf32, #tpu.memory_space<vmem>>, vector<1x256xf32>
    %add3A_551 = vector.broadcast %get3A_550 : vector<1x256xf32> to vector<197x256xf32>
    %add3A_552 = arith.addf %dot_general3A_547, %add3A_551 : vector<197x256xf32>
    %integer_pow3A_553 = arith.mulf %add3A_552, %add3A_552 : vector<197x256xf32>
    %integer_pow3A_554 = arith.mulf %add3A_552, %integer_pow3A_553 : vector<197x256xf32>
    %mul3A_555 = arith.constant 4.471500e-02 : f32
    %mul3A_556 = vector.broadcast %mul3A_555 : f32 to vector<197x256xf32>
    %mul3A_557 = arith.mulf %mul3A_556, %integer_pow3A_554 : vector<197x256xf32>
    %add3A_558 = arith.addf %add3A_552, %mul3A_557 : vector<197x256xf32>
    %mul3A_559 = arith.constant 0.797884583 : f32
    %mul3A_560 = vector.broadcast %mul3A_559 : f32 to vector<197x256xf32>
    %mul3A_561 = arith.mulf %mul3A_560, %add3A_558 : vector<197x256xf32>
    %tanh3A_562 = math.tanh %mul3A_561 : vector<197x256xf32>
    %add3A_563 = arith.constant 1.000000e+00 : f32
    %add3A_564 = vector.broadcast %add3A_563 : f32 to vector<197x256xf32>
    %add3A_565 = arith.addf %add3A_564, %tanh3A_562 : vector<197x256xf32>
    %mul3A_566 = arith.constant 5.000000e-01 : f32
    %mul3A_567 = vector.broadcast %mul3A_566 : f32 to vector<197x256xf32>
    %mul3A_568 = arith.mulf %mul3A_567, %add3A_565 : vector<197x256xf32>
    %mul3A_569 = arith.mulf %add3A_552, %mul3A_568 : vector<197x256xf32>
    %convert_element_type3A_570 = arith.truncf %mul3A_569 : vector<197x256xf32> to vector<197x256xbf16>
    %get3A_571 = arith.constant 0 : index
    %get3A_572 = arith.constant 0 : index
    %get3A_573 = vector.load %arg10[%get3A_571, %get3A_572] : memref<256x4xbf16, #tpu.memory_space<vmem>>, vector<256x4xbf16>
    %dot_general3A_574 = arith.constant dense<0.000000e+00> : vector<197x4xf32>
    %dot_general3A_575 = tpu.matmul %convert_element_type3A_570, %get3A_573, %dot_general3A_574 {dimension_numbers = #tpu.dot_dimension_numbers<[1], [0], [0], [1], [0, 0, 1, 1], [], []>, transpose_lhs_hint = false} : vector<197x256xbf16>, vector<256x4xbf16>, vector<197x4xf32> -> vector<197x4xf32>
    %get3A_576 = arith.constant 0 : index
    %get3A_577 = arith.constant 0 : index
    %get3A_578 = vector.load %arg11[%get3A_576, %get3A_577] : memref<1x4xf32, #tpu.memory_space<vmem>>, vector<1x4xf32>
    %add3A_579 = vector.broadcast %get3A_578 : vector<1x4xf32> to vector<197x4xf32>
    %add3A_580 = arith.addf %dot_general3A_575, %add3A_579 : vector<197x4xf32>
    %iota3A_581 = tpu.iota {dimensions = array<i32: 0>} : vector<197x1xi32>
    %lt3A_582 = arith.constant 1 : i32
    %lt3A_583 = vector.broadcast %lt3A_582 : i32 to vector<197x1xi32>
    %lt3A_584 = arith.cmpi slt, %iota3A_581, %lt3A_583 : vector<197x1xi32>
    %slice3A_585 = vector.extract_strided_slice %add3A_580 {offsets = [0, 1], sizes = [197, 1], strides = [1, 1]} : vector<197x4xf32> to vector<197x1xf32>
    %slice3A_586 = vector.extract_strided_slice %add3A_580 {offsets = [0, 0], sizes = [197, 1], strides = [1, 1]} : vector<197x4xf32> to vector<197x1xf32>
    %gt3A_587 = arith.cmpf ogt, %slice3A_585, %slice3A_586 : vector<197x1xf32>
    %convert_element_type3A_588 = arith.extui %gt3A_587 : vector<197x1xi1> to vector<197x1xi32>
    %convert_element_type3A_589 = arith.sitofp %convert_element_type3A_588 : vector<197x1xi32> to vector<197x1xf32>
    %jit3A_590 = arith.constant 1.000000e+00 : f32
    %broadcast_in_dim3A_591 = vector.broadcast %jit3A_590 : f32 to vector<197x1xf32>
    %select_n3A_592 = arith.select %lt3A_584, %broadcast_in_dim3A_591, %convert_element_type3A_589 : vector<197x1xi1>, vector<197x1xf32>
    %lt3A_593 = arith.constant 1 : i32
    %lt3A_594 = vector.broadcast %lt3A_593 : i32 to vector<197x1xi32>
    %lt3A_595 = arith.cmpi slt, %iota3A_581, %lt3A_594 : vector<197x1xi32>
    %slice3A_596 = vector.extract_strided_slice %add3A_580 {offsets = [0, 3], sizes = [197, 1], strides = [1, 1]} : vector<197x4xf32> to vector<197x1xf32>
    %slice3A_597 = vector.extract_strided_slice %add3A_580 {offsets = [0, 2], sizes = [197, 1], strides = [1, 1]} : vector<197x4xf32> to vector<197x1xf32>
    %gt3A_598 = arith.cmpf ogt, %slice3A_596, %slice3A_597 : vector<197x1xf32>
    %convert_element_type3A_599 = arith.extui %gt3A_598 : vector<197x1xi1> to vector<197x1xi32>
    %convert_element_type3A_600 = arith.sitofp %convert_element_type3A_599 : vector<197x1xi32> to vector<197x1xf32>
    %jit3A_601 = arith.constant 1.000000e+00 : f32
    %broadcast_in_dim3A_602 = vector.broadcast %jit3A_601 : f32 to vector<197x1xf32>
    %select_n3A_603 = arith.select %lt3A_595, %broadcast_in_dim3A_602, %convert_element_type3A_600 : vector<197x1xi1>, vector<197x1xf32>
    %swap3A_604 = arith.constant 1 : index
    %swap3A_605 = arith.constant 0 : index
    %swap3A_606 = arith.constant 0 : index
    %swap3A_607 = vector.load %arg23[%swap3A_604, %swap3A_605, %swap3A_606] : memref<2x197x1xf32, #tpu.memory_space<vmem>>, vector<1x197x1xf32>
    %swap3A_608 = vector.shape_cast %swap3A_607 : vector<1x197x1xf32> to vector<197x1xf32>
    %swap3A_609 = vector.shape_cast %select_n3A_592 : vector<197x1xf32> to vector<1x197x1xf32>
    tpu.vector_store %arg23[%swap3A_604, %swap3A_605, %swap3A_606], %swap3A_609 {strides = array<i32>} : memref<2x197x1xf32, #tpu.memory_space<vmem>>, vector<1x197x1xf32>,
    %swap3A_610 = arith.constant 1 : index
    %swap3A_611 = arith.constant 0 : index
    %swap3A_612 = arith.constant 0 : index
    %swap3A_613 = vector.load %arg24[%swap3A_610, %swap3A_611, %swap3A_612] : memref<2x197x1xf32, #tpu.memory_space<vmem>>, vector<1x197x1xf32>
    %swap3A_614 = vector.shape_cast %swap3A_613 : vector<1x197x1xf32> to vector<197x1xf32>
    %swap3A_615 = vector.shape_cast %select_n3A_603 : vector<197x1xf32> to vector<1x197x1xf32>
    tpu.vector_store %arg24[%swap3A_610, %swap3A_611, %swap3A_612], %swap3A_615 {strides = array<i32>} : memref<2x197x1xf32, #tpu.memory_space<vmem>>, vector<1x197x1xf32>,
    %get3A_616 = arith.constant 0 : index
    %get3A_617 = arith.constant 0 : index
    %get3A_618 = vector.load %arg12[%get3A_616, %get3A_617] : memref<1x768xf32, #tpu.memory_space<vmem>>, vector<1x768xf32>
    %mul3A_619 = vector.broadcast %get3A_618 : vector<1x768xf32> to vector<197x768xf32>
    %mul3A_620 = arith.mulf %div3A_466, %mul3A_619 : vector<197x768xf32>
    %get3A_621 = arith.constant 0 : index
    %get3A_622 = arith.constant 0 : index
    %get3A_623 = vector.load %arg13[%get3A_621, %get3A_622] : memref<1x768xf32, #tpu.memory_space<vmem>>, vector<1x768xf32>
    %add3A_624 = vector.broadcast %get3A_623 : vector<1x768xf32> to vector<197x768xf32>
    %add3A_625 = arith.addf %mul3A_620, %add3A_624 : vector<197x768xf32>
    %convert_element_type3A_626 = arith.truncf %add3A_625 : vector<197x768xf32> to vector<197x768xbf16>
    %get3A_627 = arith.constant 0 : index
    %get3A_628 = arith.constant 0 : index
    %get3A_629 = vector.load %arg14[%get3A_627, %get3A_628] : memref<768x768xbf16, #tpu.memory_space<vmem>>, vector<768x768xbf16>
    %dot_general3A_630 = arith.constant dense<0.000000e+00> : vector<197x768xf32>
    %dot_general3A_631 = tpu.matmul %convert_element_type3A_626, %get3A_629, %dot_general3A_630 {dimension_numbers = #tpu.dot_dimension_numbers<[1], [0], [0], [1], [0, 0, 1, 1], [], []>, transpose_lhs_hint = false} : vector<197x768xbf16>, vector<768x768xbf16>, vector<197x768xf32> -> vector<197x768xf32>
    %get3A_632 = arith.constant 0 : index
    %get3A_633 = arith.constant 0 : index
    %get3A_634 = vector.load %arg18[%get3A_632, %get3A_633] : memref<1x768xf32, #tpu.memory_space<vmem>>, vector<1x768xf32>
    %add3A_635 = vector.broadcast %get3A_634 : vector<1x768xf32> to vector<197x768xf32>
    %add3A_636 = arith.addf %dot_general3A_631, %add3A_635 : vector<197x768xf32>
    %mul3A_637 = arith.constant 1.250000e-01 : f32
    %mul3A_638 = vector.broadcast %mul3A_637 : f32 to vector<197x768xf32>
    %mul3A_639 = arith.mulf %add3A_636, %mul3A_638 : vector<197x768xf32>
    %convert_element_type3A_640 = arith.truncf %mul3A_639 : vector<197x768xf32> to vector<197x768xbf16>
    %get3A_641 = arith.constant 0 : index
    %get3A_642 = arith.constant 0 : index
    %get3A_643 = vector.load %arg15[%get3A_641, %get3A_642] : memref<768x768xbf16, #tpu.memory_space<vmem>>, vector<768x768xbf16>
    %dot_general3A_644 = arith.constant dense<0.000000e+00> : vector<197x768xf32>
    %dot_general3A_645 = tpu.matmul %convert_element_type3A_626, %get3A_643, %dot_general3A_644 {dimension_numbers = #tpu.dot_dimension_numbers<[1], [0], [0], [1], [0, 0, 1, 1], [], []>, transpose_lhs_hint = false} : vector<197x768xbf16>, vector<768x768xbf16>, vector<197x768xf32> -> vector<197x768xf32>
    %get3A_646 = arith.constant 0 : index
    %get3A_647 = arith.constant 0 : index
    %get3A_648 = vector.load %arg19[%get3A_646, %get3A_647] : memref<1x768xf32, #tpu.memory_space<vmem>>, vector<1x768xf32>
    %add3A_649 = vector.broadcast %get3A_648 : vector<1x768xf32> to vector<197x768xf32>
    %add3A_650 = arith.addf %dot_general3A_645, %add3A_649 : vector<197x768xf32>
    %convert_element_type3A_651 = arith.truncf %add3A_650 : vector<197x768xf32> to vector<197x768xbf16>
    %get3A_652 = arith.constant 0 : index
    %get3A_653 = arith.constant 0 : index
    %get3A_654 = vector.load %arg16[%get3A_652, %get3A_653] : memref<768x768xbf16, #tpu.memory_space<vmem>>, vector<768x768xbf16>
    %dot_general3A_655 = arith.constant dense<0.000000e+00> : vector<197x768xf32>
    %dot_general3A_656 = tpu.matmul %convert_element_type3A_626, %get3A_654, %dot_general3A_655 {dimension_numbers = #tpu.dot_dimension_numbers<[1], [0], [0], [1], [0, 0, 1, 1], [], []>, transpose_lhs_hint = false} : vector<197x768xbf16>, vector<768x768xbf16>, vector<197x768xf32> -> vector<197x768xf32>
    %get3A_657 = arith.constant 0 : index
    %get3A_658 = arith.constant 0 : index
    %get3A_659 = vector.load %arg20[%get3A_657, %get3A_658] : memref<1x768xf32, #tpu.memory_space<vmem>>, vector<1x768xf32>
    %add3A_660 = vector.broadcast %get3A_659 : vector<1x768xf32> to vector<197x768xf32>
    %add3A_661 = arith.addf %dot_general3A_656, %add3A_660 : vector<197x768xf32>
    %convert_element_type3A_662 = arith.truncf %add3A_661 : vector<197x768xf32> to vector<197x768xbf16>
    %slice3A_663 = vector.extract_strided_slice %convert_element_type3A_640 {offsets = [0, 0], sizes = [197, 64], strides = [1, 1]} : vector<197x768xbf16> to vector<197x64xbf16>
    %slice3A_664 = vector.extract_strided_slice %convert_element_type3A_651 {offsets = [0, 0], sizes = [197, 64], strides = [1, 1]} : vector<197x768xbf16> to vector<197x64xbf16>
    %dot_general3A_665 = arith.constant dense<0.000000e+00> : vector<197x197xf32>
    %dot_general3A_666 = tpu.matmul %slice3A_663, %slice3A_664, %dot_general3A_665 {dimension_numbers = #tpu.dot_dimension_numbers<[1], [1], [0], [0], [0, 0, 1, 0], [], []>, transpose_lhs_hint = false} : vector<197x64xbf16>, vector<197x64xbf16>, vector<197x197xf32> -> vector<197x197xf32>
    %exp3A_667 = math.exp %dot_general3A_666 : vector<197x197xf32>
    %slice3A_668 = vector.extract_strided_slice %convert_element_type3A_640 {offsets = [0, 64], sizes = [197, 64], strides = [1, 1]} : vector<197x768xbf16> to vector<197x64xbf16>
    %slice3A_669 = vector.extract_strided_slice %convert_element_type3A_651 {offsets = [0, 64], sizes = [197, 64], strides = [1, 1]} : vector<197x768xbf16> to vector<197x64xbf16>
    %dot_general3A_670 = arith.constant dense<0.000000e+00> : vector<197x197xf32>
    %dot_general3A_671 = tpu.matmul %slice3A_668, %slice3A_669, %dot_general3A_670 {dimension_numbers = #tpu.dot_dimension_numbers<[1], [1], [0], [0], [0, 0, 1, 0], [], []>, transpose_lhs_hint = false} : vector<197x64xbf16>, vector<197x64xbf16>, vector<197x197xf32> -> vector<197x197xf32>
    %exp3A_672 = math.exp %dot_general3A_671 : vector<197x197xf32>
    %slice3A_673 = vector.extract_strided_slice %convert_element_type3A_640 {offsets = [0, 128], sizes = [197, 64], strides = [1, 1]} : vector<197x768xbf16> to vector<197x64xbf16>
    %slice3A_674 = vector.extract_strided_slice %convert_element_type3A_651 {offsets = [0, 128], sizes = [197, 64], strides = [1, 1]} : vector<197x768xbf16> to vector<197x64xbf16>
    %dot_general3A_675 = arith.constant dense<0.000000e+00> : vector<197x197xf32>
    %dot_general3A_676 = tpu.matmul %slice3A_673, %slice3A_674, %dot_general3A_675 {dimension_numbers = #tpu.dot_dimension_numbers<[1], [1], [0], [0], [0, 0, 1, 0], [], []>, transpose_lhs_hint = false} : vector<197x64xbf16>, vector<197x64xbf16>, vector<197x197xf32> -> vector<197x197xf32>
    %exp3A_677 = math.exp %dot_general3A_676 : vector<197x197xf32>
    %slice3A_678 = vector.extract_strided_slice %convert_element_type3A_640 {offsets = [0, 192], sizes = [197, 64], strides = [1, 1]} : vector<197x768xbf16> to vector<197x64xbf16>
    %slice3A_679 = vector.extract_strided_slice %convert_element_type3A_651 {offsets = [0, 192], sizes = [197, 64], strides = [1, 1]} : vector<197x768xbf16> to vector<197x64xbf16>
    %dot_general3A_680 = arith.constant dense<0.000000e+00> : vector<197x197xf32>
    %dot_general3A_681 = tpu.matmul %slice3A_678, %slice3A_679, %dot_general3A_680 {dimension_numbers = #tpu.dot_dimension_numbers<[1], [1], [0], [0], [0, 0, 1, 0], [], []>, transpose_lhs_hint = false} : vector<197x64xbf16>, vector<197x64xbf16>, vector<197x197xf32> -> vector<197x197xf32>
    %exp3A_682 = math.exp %dot_general3A_681 : vector<197x197xf32>
    %slice3A_683 = vector.extract_strided_slice %convert_element_type3A_640 {offsets = [0, 256], sizes = [197, 64], strides = [1, 1]} : vector<197x768xbf16> to vector<197x64xbf16>
    %slice3A_684 = vector.extract_strided_slice %convert_element_type3A_651 {offsets = [0, 256], sizes = [197, 64], strides = [1, 1]} : vector<197x768xbf16> to vector<197x64xbf16>
    %dot_general3A_685 = arith.constant dense<0.000000e+00> : vector<197x197xf32>
    %dot_general3A_686 = tpu.matmul %slice3A_683, %slice3A_684, %dot_general3A_685 {dimension_numbers = #tpu.dot_dimension_numbers<[1], [1], [0], [0], [0, 0, 1, 0], [], []>, transpose_lhs_hint = false} : vector<197x64xbf16>, vector<197x64xbf16>, vector<197x197xf32> -> vector<197x197xf32>
    %exp3A_687 = math.exp %dot_general3A_686 : vector<197x197xf32>
    %slice3A_688 = vector.extract_strided_slice %convert_element_type3A_640 {offsets = [0, 320], sizes = [197, 64], strides = [1, 1]} : vector<197x768xbf16> to vector<197x64xbf16>
    %slice3A_689 = vector.extract_strided_slice %convert_element_type3A_651 {offsets = [0, 320], sizes = [197, 64], strides = [1, 1]} : vector<197x768xbf16> to vector<197x64xbf16>
    %dot_general3A_690 = arith.constant dense<0.000000e+00> : vector<197x197xf32>
    %dot_general3A_691 = tpu.matmul %slice3A_688, %slice3A_689, %dot_general3A_690 {dimension_numbers = #tpu.dot_dimension_numbers<[1], [1], [0], [0], [0, 0, 1, 0], [], []>, transpose_lhs_hint = false} : vector<197x64xbf16>, vector<197x64xbf16>, vector<197x197xf32> -> vector<197x197xf32>
    %exp3A_692 = math.exp %dot_general3A_691 : vector<197x197xf32>
    %slice3A_693 = vector.extract_strided_slice %convert_element_type3A_640 {offsets = [0, 384], sizes = [197, 64], strides = [1, 1]} : vector<197x768xbf16> to vector<197x64xbf16>
    %slice3A_694 = vector.extract_strided_slice %convert_element_type3A_651 {offsets = [0, 384], sizes = [197, 64], strides = [1, 1]} : vector<197x768xbf16> to vector<197x64xbf16>
    %dot_general3A_695 = arith.constant dense<0.000000e+00> : vector<197x197xf32>
    %dot_general3A_696 = tpu.matmul %slice3A_693, %slice3A_694, %dot_general3A_695 {dimension_numbers = #tpu.dot_dimension_numbers<[1], [1], [0], [0], [0, 0, 1, 0], [], []>, transpose_lhs_hint = false} : vector<197x64xbf16>, vector<197x64xbf16>, vector<197x197xf32> -> vector<197x197xf32>
    %exp3A_697 = math.exp %dot_general3A_696 : vector<197x197xf32>
    %slice3A_698 = vector.extract_strided_slice %convert_element_type3A_640 {offsets = [0, 448], sizes = [197, 64], strides = [1, 1]} : vector<197x768xbf16> to vector<197x64xbf16>
    %slice3A_699 = vector.extract_strided_slice %convert_element_type3A_651 {offsets = [0, 448], sizes = [197, 64], strides = [1, 1]} : vector<197x768xbf16> to vector<197x64xbf16>
    %dot_general3A_700 = arith.constant dense<0.000000e+00> : vector<197x197xf32>
    %dot_general3A_701 = tpu.matmul %slice3A_698, %slice3A_699, %dot_general3A_700 {dimension_numbers = #tpu.dot_dimension_numbers<[1], [1], [0], [0], [0, 0, 1, 0], [], []>, transpose_lhs_hint = false} : vector<197x64xbf16>, vector<197x64xbf16>, vector<197x197xf32> -> vector<197x197xf32>
    %exp3A_702 = math.exp %dot_general3A_701 : vector<197x197xf32>
    %slice3A_703 = vector.extract_strided_slice %convert_element_type3A_640 {offsets = [0, 512], sizes = [197, 64], strides = [1, 1]} : vector<197x768xbf16> to vector<197x64xbf16>
    %slice3A_704 = vector.extract_strided_slice %convert_element_type3A_651 {offsets = [0, 512], sizes = [197, 64], strides = [1, 1]} : vector<197x768xbf16> to vector<197x64xbf16>
    %dot_general3A_705 = arith.constant dense<0.000000e+00> : vector<197x197xf32>
    %dot_general3A_706 = tpu.matmul %slice3A_703, %slice3A_704, %dot_general3A_705 {dimension_numbers = #tpu.dot_dimension_numbers<[1], [1], [0], [0], [0, 0, 1, 0], [], []>, transpose_lhs_hint = false} : vector<197x64xbf16>, vector<197x64xbf16>, vector<197x197xf32> -> vector<197x197xf32>
    %exp3A_707 = math.exp %dot_general3A_706 : vector<197x197xf32>
    %slice3A_708 = vector.extract_strided_slice %convert_element_type3A_640 {offsets = [0, 576], sizes = [197, 64], strides = [1, 1]} : vector<197x768xbf16> to vector<197x64xbf16>
    %slice3A_709 = vector.extract_strided_slice %convert_element_type3A_651 {offsets = [0, 576], sizes = [197, 64], strides = [1, 1]} : vector<197x768xbf16> to vector<197x64xbf16>
    %dot_general3A_710 = arith.constant dense<0.000000e+00> : vector<197x197xf32>
    %dot_general3A_711 = tpu.matmul %slice3A_708, %slice3A_709, %dot_general3A_710 {dimension_numbers = #tpu.dot_dimension_numbers<[1], [1], [0], [0], [0, 0, 1, 0], [], []>, transpose_lhs_hint = false} : vector<197x64xbf16>, vector<197x64xbf16>, vector<197x197xf32> -> vector<197x197xf32>
    %exp3A_712 = math.exp %dot_general3A_711 : vector<197x197xf32>
    %slice3A_713 = vector.extract_strided_slice %convert_element_type3A_640 {offsets = [0, 640], sizes = [197, 64], strides = [1, 1]} : vector<197x768xbf16> to vector<197x64xbf16>
    %slice3A_714 = vector.extract_strided_slice %convert_element_type3A_651 {offsets = [0, 640], sizes = [197, 64], strides = [1, 1]} : vector<197x768xbf16> to vector<197x64xbf16>
    %dot_general3A_715 = arith.constant dense<0.000000e+00> : vector<197x197xf32>
    %dot_general3A_716 = tpu.matmul %slice3A_713, %slice3A_714, %dot_general3A_715 {dimension_numbers = #tpu.dot_dimension_numbers<[1], [1], [0], [0], [0, 0, 1, 0], [], []>, transpose_lhs_hint = false} : vector<197x64xbf16>, vector<197x64xbf16>, vector<197x197xf32> -> vector<197x197xf32>
    %exp3A_717 = math.exp %dot_general3A_716 : vector<197x197xf32>
    %slice3A_718 = vector.extract_strided_slice %convert_element_type3A_640 {offsets = [0, 704], sizes = [197, 64], strides = [1, 1]} : vector<197x768xbf16> to vector<197x64xbf16>
    %slice3A_719 = vector.extract_strided_slice %convert_element_type3A_651 {offsets = [0, 704], sizes = [197, 64], strides = [1, 1]} : vector<197x768xbf16> to vector<197x64xbf16>
    %dot_general3A_720 = arith.constant dense<0.000000e+00> : vector<197x197xf32>
    %dot_general3A_721 = tpu.matmul %slice3A_718, %slice3A_719, %dot_general3A_720 {dimension_numbers = #tpu.dot_dimension_numbers<[1], [1], [0], [0], [0, 0, 1, 0], [], []>, transpose_lhs_hint = false} : vector<197x64xbf16>, vector<197x64xbf16>, vector<197x197xf32> -> vector<197x197xf32>
    %exp3A_722 = math.exp %dot_general3A_721 : vector<197x197xf32>
    %reduce_sum3A_723 = arith.constant dense<0.000000e+00> : vector<197xf32>
    %reduce_sum3A_724 = vector.multi_reduction <add>, %exp3A_667, %reduce_sum3A_723 [1] : vector<197x197xf32> to vector<197xf32>
    %broadcast_in_dim3A_725 = vector.shape_cast %reduce_sum3A_724 : vector<197xf32> to vector<197x1xf32>
    %div3A_726 = arith.constant 1.000000e+00 : f32
    %div3A_727 = vector.broadcast %div3A_726 : f32 to vector<197x1xf32>
    %div3A_728 = arith.divf %div3A_727, %broadcast_in_dim3A_725 : vector<197x1xf32>
    %convert_element_type3A_729 = arith.truncf %exp3A_667 : vector<197x197xf32> to vector<197x197xbf16>
    %slice3A_730 = vector.extract_strided_slice %convert_element_type3A_662 {offsets = [0, 0], sizes = [197, 64], strides = [1, 1]} : vector<197x768xbf16> to vector<197x64xbf16>
    %dot_general3A_731 = arith.constant dense<0.000000e+00> : vector<197x64xf32>
    %dot_general3A_732 = tpu.matmul %convert_element_type3A_729, %slice3A_730, %dot_general3A_731 {dimension_numbers = #tpu.dot_dimension_numbers<[1], [0], [0], [1], [0, 0, 1, 1], [], []>, transpose_lhs_hint = false} : vector<197x197xbf16>, vector<197x64xbf16>, vector<197x64xf32> -> vector<197x64xf32>
    %mul3A_733 = vector.broadcast %div3A_728 : vector<197x1xf32> to vector<197x64xf32>
    %mul3A_734 = arith.mulf %dot_general3A_732, %mul3A_733 : vector<197x64xf32>
    %convert_element_type3A_735 = arith.truncf %mul3A_734 : vector<197x64xf32> to vector<197x64xbf16>
    %reduce_sum3A_736 = arith.constant dense<0.000000e+00> : vector<197xf32>
    %reduce_sum3A_737 = vector.multi_reduction <add>, %exp3A_672, %reduce_sum3A_736 [1] : vector<197x197xf32> to vector<197xf32>
    %broadcast_in_dim3A_738 = vector.shape_cast %reduce_sum3A_737 : vector<197xf32> to vector<197x1xf32>
    %div3A_739 = arith.constant 1.000000e+00 : f32
    %div3A_740 = vector.broadcast %div3A_739 : f32 to vector<197x1xf32>
    %div3A_741 = arith.divf %div3A_740, %broadcast_in_dim3A_738 : vector<197x1xf32>
    %convert_element_type3A_742 = arith.truncf %exp3A_672 : vector<197x197xf32> to vector<197x197xbf16>
    %slice3A_743 = vector.extract_strided_slice %convert_element_type3A_662 {offsets = [0, 64], sizes = [197, 64], strides = [1, 1]} : vector<197x768xbf16> to vector<197x64xbf16>
    %dot_general3A_744 = arith.constant dense<0.000000e+00> : vector<197x64xf32>
    %dot_general3A_745 = tpu.matmul %convert_element_type3A_742, %slice3A_743, %dot_general3A_744 {dimension_numbers = #tpu.dot_dimension_numbers<[1], [0], [0], [1], [0, 0, 1, 1], [], []>, transpose_lhs_hint = false} : vector<197x197xbf16>, vector<197x64xbf16>, vector<197x64xf32> -> vector<197x64xf32>
    %mul3A_746 = vector.broadcast %div3A_741 : vector<197x1xf32> to vector<197x64xf32>
    %mul3A_747 = arith.mulf %dot_general3A_745, %mul3A_746 : vector<197x64xf32>
    %convert_element_type3A_748 = arith.truncf %mul3A_747 : vector<197x64xf32> to vector<197x64xbf16>
    %reduce_sum3A_749 = arith.constant dense<0.000000e+00> : vector<197xf32>
    %reduce_sum3A_750 = vector.multi_reduction <add>, %exp3A_677, %reduce_sum3A_749 [1] : vector<197x197xf32> to vector<197xf32>
    %broadcast_in_dim3A_751 = vector.shape_cast %reduce_sum3A_750 : vector<197xf32> to vector<197x1xf32>
    %div3A_752 = arith.constant 1.000000e+00 : f32
    %div3A_753 = vector.broadcast %div3A_752 : f32 to vector<197x1xf32>
    %div3A_754 = arith.divf %div3A_753, %broadcast_in_dim3A_751 : vector<197x1xf32>
    %convert_element_type3A_755 = arith.truncf %exp3A_677 : vector<197x197xf32> to vector<197x197xbf16>
    %slice3A_756 = vector.extract_strided_slice %convert_element_type3A_662 {offsets = [0, 128], sizes = [197, 64], strides = [1, 1]} : vector<197x768xbf16> to vector<197x64xbf16>
    %dot_general3A_757 = arith.constant dense<0.000000e+00> : vector<197x64xf32>
    %dot_general3A_758 = tpu.matmul %convert_element_type3A_755, %slice3A_756, %dot_general3A_757 {dimension_numbers = #tpu.dot_dimension_numbers<[1], [0], [0], [1], [0, 0, 1, 1], [], []>, transpose_lhs_hint = false} : vector<197x197xbf16>, vector<197x64xbf16>, vector<197x64xf32> -> vector<197x64xf32>
    %mul3A_759 = vector.broadcast %div3A_754 : vector<197x1xf32> to vector<197x64xf32>
    %mul3A_760 = arith.mulf %dot_general3A_758, %mul3A_759 : vector<197x64xf32>
    %convert_element_type3A_761 = arith.truncf %mul3A_760 : vector<197x64xf32> to vector<197x64xbf16>
    %reduce_sum3A_762 = arith.constant dense<0.000000e+00> : vector<197xf32>
    %reduce_sum3A_763 = vector.multi_reduction <add>, %exp3A_682, %reduce_sum3A_762 [1] : vector<197x197xf32> to vector<197xf32>
    %broadcast_in_dim3A_764 = vector.shape_cast %reduce_sum3A_763 : vector<197xf32> to vector<197x1xf32>
    %div3A_765 = arith.constant 1.000000e+00 : f32
    %div3A_766 = vector.broadcast %div3A_765 : f32 to vector<197x1xf32>
    %div3A_767 = arith.divf %div3A_766, %broadcast_in_dim3A_764 : vector<197x1xf32>
    %convert_element_type3A_768 = arith.truncf %exp3A_682 : vector<197x197xf32> to vector<197x197xbf16>
    %slice3A_769 = vector.extract_strided_slice %convert_element_type3A_662 {offsets = [0, 192], sizes = [197, 64], strides = [1, 1]} : vector<197x768xbf16> to vector<197x64xbf16>
    %dot_general3A_770 = arith.constant dense<0.000000e+00> : vector<197x64xf32>
    %dot_general3A_771 = tpu.matmul %convert_element_type3A_768, %slice3A_769, %dot_general3A_770 {dimension_numbers = #tpu.dot_dimension_numbers<[1], [0], [0], [1], [0, 0, 1, 1], [], []>, transpose_lhs_hint = false} : vector<197x197xbf16>, vector<197x64xbf16>, vector<197x64xf32> -> vector<197x64xf32>
    %mul3A_772 = vector.broadcast %div3A_767 : vector<197x1xf32> to vector<197x64xf32>
    %mul3A_773 = arith.mulf %dot_general3A_771, %mul3A_772 : vector<197x64xf32>
    %convert_element_type3A_774 = arith.truncf %mul3A_773 : vector<197x64xf32> to vector<197x64xbf16>
    %reduce_sum3A_775 = arith.constant dense<0.000000e+00> : vector<197xf32>
    %reduce_sum3A_776 = vector.multi_reduction <add>, %exp3A_687, %reduce_sum3A_775 [1] : vector<197x197xf32> to vector<197xf32>
    %broadcast_in_dim3A_777 = vector.shape_cast %reduce_sum3A_776 : vector<197xf32> to vector<197x1xf32>
    %div3A_778 = arith.constant 1.000000e+00 : f32
    %div3A_779 = vector.broadcast %div3A_778 : f32 to vector<197x1xf32>
    %div3A_780 = arith.divf %div3A_779, %broadcast_in_dim3A_777 : vector<197x1xf32>
    %convert_element_type3A_781 = arith.truncf %exp3A_687 : vector<197x197xf32> to vector<197x197xbf16>
    %slice3A_782 = vector.extract_strided_slice %convert_element_type3A_662 {offsets = [0, 256], sizes = [197, 64], strides = [1, 1]} : vector<197x768xbf16> to vector<197x64xbf16>
    %dot_general3A_783 = arith.constant dense<0.000000e+00> : vector<197x64xf32>
    %dot_general3A_784 = tpu.matmul %convert_element_type3A_781, %slice3A_782, %dot_general3A_783 {dimension_numbers = #tpu.dot_dimension_numbers<[1], [0], [0], [1], [0, 0, 1, 1], [], []>, transpose_lhs_hint = false} : vector<197x197xbf16>, vector<197x64xbf16>, vector<197x64xf32> -> vector<197x64xf32>
    %mul3A_785 = vector.broadcast %div3A_780 : vector<197x1xf32> to vector<197x64xf32>
    %mul3A_786 = arith.mulf %dot_general3A_784, %mul3A_785 : vector<197x64xf32>
    %convert_element_type3A_787 = arith.truncf %mul3A_786 : vector<197x64xf32> to vector<197x64xbf16>
    %reduce_sum3A_788 = arith.constant dense<0.000000e+00> : vector<197xf32>
    %reduce_sum3A_789 = vector.multi_reduction <add>, %exp3A_692, %reduce_sum3A_788 [1] : vector<197x197xf32> to vector<197xf32>
    %broadcast_in_dim3A_790 = vector.shape_cast %reduce_sum3A_789 : vector<197xf32> to vector<197x1xf32>
    %div3A_791 = arith.constant 1.000000e+00 : f32
    %div3A_792 = vector.broadcast %div3A_791 : f32 to vector<197x1xf32>
    %div3A_793 = arith.divf %div3A_792, %broadcast_in_dim3A_790 : vector<197x1xf32>
    %convert_element_type3A_794 = arith.truncf %exp3A_692 : vector<197x197xf32> to vector<197x197xbf16>
    %slice3A_795 = vector.extract_strided_slice %convert_element_type3A_662 {offsets = [0, 320], sizes = [197, 64], strides = [1, 1]} : vector<197x768xbf16> to vector<197x64xbf16>
    %dot_general3A_796 = arith.constant dense<0.000000e+00> : vector<197x64xf32>
    %dot_general3A_797 = tpu.matmul %convert_element_type3A_794, %slice3A_795, %dot_general3A_796 {dimension_numbers = #tpu.dot_dimension_numbers<[1], [0], [0], [1], [0, 0, 1, 1], [], []>, transpose_lhs_hint = false} : vector<197x197xbf16>, vector<197x64xbf16>, vector<197x64xf32> -> vector<197x64xf32>
    %mul3A_798 = vector.broadcast %div3A_793 : vector<197x1xf32> to vector<197x64xf32>
    %mul3A_799 = arith.mulf %dot_general3A_797, %mul3A_798 : vector<197x64xf32>
    %convert_element_type3A_800 = arith.truncf %mul3A_799 : vector<197x64xf32> to vector<197x64xbf16>
    %reduce_sum3A_801 = arith.constant dense<0.000000e+00> : vector<197xf32>
    %reduce_sum3A_802 = vector.multi_reduction <add>, %exp3A_697, %reduce_sum3A_801 [1] : vector<197x197xf32> to vector<197xf32>
    %broadcast_in_dim3A_803 = vector.shape_cast %reduce_sum3A_802 : vector<197xf32> to vector<197x1xf32>
    %div3A_804 = arith.constant 1.000000e+00 : f32
    %div3A_805 = vector.broadcast %div3A_804 : f32 to vector<197x1xf32>
    %div3A_806 = arith.divf %div3A_805, %broadcast_in_dim3A_803 : vector<197x1xf32>
    %convert_element_type3A_807 = arith.truncf %exp3A_697 : vector<197x197xf32> to vector<197x197xbf16>
    %slice3A_808 = vector.extract_strided_slice %convert_element_type3A_662 {offsets = [0, 384], sizes = [197, 64], strides = [1, 1]} : vector<197x768xbf16> to vector<197x64xbf16>
    %dot_general3A_809 = arith.constant dense<0.000000e+00> : vector<197x64xf32>
    %dot_general3A_810 = tpu.matmul %convert_element_type3A_807, %slice3A_808, %dot_general3A_809 {dimension_numbers = #tpu.dot_dimension_numbers<[1], [0], [0], [1], [0, 0, 1, 1], [], []>, transpose_lhs_hint = false} : vector<197x197xbf16>, vector<197x64xbf16>, vector<197x64xf32> -> vector<197x64xf32>
    %mul3A_811 = vector.broadcast %div3A_806 : vector<197x1xf32> to vector<197x64xf32>
    %mul3A_812 = arith.mulf %dot_general3A_810, %mul3A_811 : vector<197x64xf32>
    %convert_element_type3A_813 = arith.truncf %mul3A_812 : vector<197x64xf32> to vector<197x64xbf16>
    %reduce_sum3A_814 = arith.constant dense<0.000000e+00> : vector<197xf32>
    %reduce_sum3A_815 = vector.multi_reduction <add>, %exp3A_702, %reduce_sum3A_814 [1] : vector<197x197xf32> to vector<197xf32>
    %broadcast_in_dim3A_816 = vector.shape_cast %reduce_sum3A_815 : vector<197xf32> to vector<197x1xf32>
    %div3A_817 = arith.constant 1.000000e+00 : f32
    %div3A_818 = vector.broadcast %div3A_817 : f32 to vector<197x1xf32>
    %div3A_819 = arith.divf %div3A_818, %broadcast_in_dim3A_816 : vector<197x1xf32>
    %convert_element_type3A_820 = arith.truncf %exp3A_702 : vector<197x197xf32> to vector<197x197xbf16>
    %slice3A_821 = vector.extract_strided_slice %convert_element_type3A_662 {offsets = [0, 448], sizes = [197, 64], strides = [1, 1]} : vector<197x768xbf16> to vector<197x64xbf16>
    %dot_general3A_822 = arith.constant dense<0.000000e+00> : vector<197x64xf32>
    %dot_general3A_823 = tpu.matmul %convert_element_type3A_820, %slice3A_821, %dot_general3A_822 {dimension_numbers = #tpu.dot_dimension_numbers<[1], [0], [0], [1], [0, 0, 1, 1], [], []>, transpose_lhs_hint = false} : vector<197x197xbf16>, vector<197x64xbf16>, vector<197x64xf32> -> vector<197x64xf32>
    %mul3A_824 = vector.broadcast %div3A_819 : vector<197x1xf32> to vector<197x64xf32>
    %mul3A_825 = arith.mulf %dot_general3A_823, %mul3A_824 : vector<197x64xf32>
    %convert_element_type3A_826 = arith.truncf %mul3A_825 : vector<197x64xf32> to vector<197x64xbf16>
    %reduce_sum3A_827 = arith.constant dense<0.000000e+00> : vector<197xf32>
    %reduce_sum3A_828 = vector.multi_reduction <add>, %exp3A_707, %reduce_sum3A_827 [1] : vector<197x197xf32> to vector<197xf32>
    %broadcast_in_dim3A_829 = vector.shape_cast %reduce_sum3A_828 : vector<197xf32> to vector<197x1xf32>
    %div3A_830 = arith.constant 1.000000e+00 : f32
    %div3A_831 = vector.broadcast %div3A_830 : f32 to vector<197x1xf32>
    %div3A_832 = arith.divf %div3A_831, %broadcast_in_dim3A_829 : vector<197x1xf32>
    %convert_element_type3A_833 = arith.truncf %exp3A_707 : vector<197x197xf32> to vector<197x197xbf16>
    %slice3A_834 = vector.extract_strided_slice %convert_element_type3A_662 {offsets = [0, 512], sizes = [197, 64], strides = [1, 1]} : vector<197x768xbf16> to vector<197x64xbf16>
    %dot_general3A_835 = arith.constant dense<0.000000e+00> : vector<197x64xf32>
    %dot_general3A_836 = tpu.matmul %convert_element_type3A_833, %slice3A_834, %dot_general3A_835 {dimension_numbers = #tpu.dot_dimension_numbers<[1], [0], [0], [1], [0, 0, 1, 1], [], []>, transpose_lhs_hint = false} : vector<197x197xbf16>, vector<197x64xbf16>, vector<197x64xf32> -> vector<197x64xf32>
    %mul3A_837 = vector.broadcast %div3A_832 : vector<197x1xf32> to vector<197x64xf32>
    %mul3A_838 = arith.mulf %dot_general3A_836, %mul3A_837 : vector<197x64xf32>
    %convert_element_type3A_839 = arith.truncf %mul3A_838 : vector<197x64xf32> to vector<197x64xbf16>
    %reduce_sum3A_840 = arith.constant dense<0.000000e+00> : vector<197xf32>
    %reduce_sum3A_841 = vector.multi_reduction <add>, %exp3A_712, %reduce_sum3A_840 [1] : vector<197x197xf32> to vector<197xf32>
    %broadcast_in_dim3A_842 = vector.shape_cast %reduce_sum3A_841 : vector<197xf32> to vector<197x1xf32>
    %div3A_843 = arith.constant 1.000000e+00 : f32
    %div3A_844 = vector.broadcast %div3A_843 : f32 to vector<197x1xf32>
    %div3A_845 = arith.divf %div3A_844, %broadcast_in_dim3A_842 : vector<197x1xf32>
    %convert_element_type3A_846 = arith.truncf %exp3A_712 : vector<197x197xf32> to vector<197x197xbf16>
    %slice3A_847 = vector.extract_strided_slice %convert_element_type3A_662 {offsets = [0, 576], sizes = [197, 64], strides = [1, 1]} : vector<197x768xbf16> to vector<197x64xbf16>
    %dot_general3A_848 = arith.constant dense<0.000000e+00> : vector<197x64xf32>
    %dot_general3A_849 = tpu.matmul %convert_element_type3A_846, %slice3A_847, %dot_general3A_848 {dimension_numbers = #tpu.dot_dimension_numbers<[1], [0], [0], [1], [0, 0, 1, 1], [], []>, transpose_lhs_hint = false} : vector<197x197xbf16>, vector<197x64xbf16>, vector<197x64xf32> -> vector<197x64xf32>
    %mul3A_850 = vector.broadcast %div3A_845 : vector<197x1xf32> to vector<197x64xf32>
    %mul3A_851 = arith.mulf %dot_general3A_849, %mul3A_850 : vector<197x64xf32>
    %convert_element_type3A_852 = arith.truncf %mul3A_851 : vector<197x64xf32> to vector<197x64xbf16>
    %reduce_sum3A_853 = arith.constant dense<0.000000e+00> : vector<197xf32>
    %reduce_sum3A_854 = vector.multi_reduction <add>, %exp3A_717, %reduce_sum3A_853 [1] : vector<197x197xf32> to vector<197xf32>
    %broadcast_in_dim3A_855 = vector.shape_cast %reduce_sum3A_854 : vector<197xf32> to vector<197x1xf32>
    %div3A_856 = arith.constant 1.000000e+00 : f32
    %div3A_857 = vector.broadcast %div3A_856 : f32 to vector<197x1xf32>
    %div3A_858 = arith.divf %div3A_857, %broadcast_in_dim3A_855 : vector<197x1xf32>
    %convert_element_type3A_859 = arith.truncf %exp3A_717 : vector<197x197xf32> to vector<197x197xbf16>
    %slice3A_860 = vector.extract_strided_slice %convert_element_type3A_662 {offsets = [0, 640], sizes = [197, 64], strides = [1, 1]} : vector<197x768xbf16> to vector<197x64xbf16>
    %dot_general3A_861 = arith.constant dense<0.000000e+00> : vector<197x64xf32>
    %dot_general3A_862 = tpu.matmul %convert_element_type3A_859, %slice3A_860, %dot_general3A_861 {dimension_numbers = #tpu.dot_dimension_numbers<[1], [0], [0], [1], [0, 0, 1, 1], [], []>, transpose_lhs_hint = false} : vector<197x197xbf16>, vector<197x64xbf16>, vector<197x64xf32> -> vector<197x64xf32>
    %mul3A_863 = vector.broadcast %div3A_858 : vector<197x1xf32> to vector<197x64xf32>
    %mul3A_864 = arith.mulf %dot_general3A_862, %mul3A_863 : vector<197x64xf32>
    %convert_element_type3A_865 = arith.truncf %mul3A_864 : vector<197x64xf32> to vector<197x64xbf16>
    %reduce_sum3A_866 = arith.constant dense<0.000000e+00> : vector<197xf32>
    %reduce_sum3A_867 = vector.multi_reduction <add>, %exp3A_722, %reduce_sum3A_866 [1] : vector<197x197xf32> to vector<197xf32>
    %broadcast_in_dim3A_868 = vector.shape_cast %reduce_sum3A_867 : vector<197xf32> to vector<197x1xf32>
    %div3A_869 = arith.constant 1.000000e+00 : f32
    %div3A_870 = vector.broadcast %div3A_869 : f32 to vector<197x1xf32>
    %div3A_871 = arith.divf %div3A_870, %broadcast_in_dim3A_868 : vector<197x1xf32>
    %convert_element_type3A_872 = arith.truncf %exp3A_722 : vector<197x197xf32> to vector<197x197xbf16>
    %slice3A_873 = vector.extract_strided_slice %convert_element_type3A_662 {offsets = [0, 704], sizes = [197, 64], strides = [1, 1]} : vector<197x768xbf16> to vector<197x64xbf16>
    %dot_general3A_874 = arith.constant dense<0.000000e+00> : vector<197x64xf32>
    %dot_general3A_875 = tpu.matmul %convert_element_type3A_872, %slice3A_873, %dot_general3A_874 {dimension_numbers = #tpu.dot_dimension_numbers<[1], [0], [0], [1], [0, 0, 1, 1], [], []>, transpose_lhs_hint = false} : vector<197x197xbf16>, vector<197x64xbf16>, vector<197x64xf32> -> vector<197x64xf32>
    %mul3A_876 = vector.broadcast %div3A_871 : vector<197x1xf32> to vector<197x64xf32>
    %mul3A_877 = arith.mulf %dot_general3A_875, %mul3A_876 : vector<197x64xf32>
    %convert_element_type3A_878 = arith.truncf %mul3A_877 : vector<197x64xf32> to vector<197x64xbf16>
    %concatenate3A_879 = tpu.concatenate %convert_element_type3A_735, %convert_element_type3A_748, %convert_element_type3A_761, %convert_element_type3A_774, %convert_element_type3A_787, %convert_element_type3A_800, %convert_element_type3A_813, %convert_element_type3A_826, %convert_element_type3A_839, %convert_element_type3A_852, %convert_element_type3A_865, %convert_element_type3A_878 in 1 : vector<197x64xbf16>, vector<197x64xbf16>, vector<197x64xbf16>, vector<197x64xbf16>, vector<197x64xbf16>, vector<197x64xbf16>, vector<197x64xbf16>, vector<197x64xbf16>, vector<197x64xbf16>, vector<197x64xbf16>, vector<197x64xbf16>, vector<197x64xbf16> -> vector<197x768xbf16>
    %get3A_880 = arith.constant 0 : index
    %get3A_881 = arith.constant 0 : index
    %get3A_882 = vector.load %arg17[%get3A_880, %get3A_881] : memref<768x768xbf16, #tpu.memory_space<vmem>>, vector<768x768xbf16>
    %dot_general3A_883 = arith.constant dense<0.000000e+00> : vector<197x768xf32>
    %dot_general3A_884 = tpu.matmul %concatenate3A_879, %get3A_882, %dot_general3A_883 {dimension_numbers = #tpu.dot_dimension_numbers<[1], [0], [0], [1], [0, 0, 1, 1], [], []>, transpose_lhs_hint = false} : vector<197x768xbf16>, vector<768x768xbf16>, vector<197x768xf32> -> vector<197x768xf32>
    %get3A_885 = arith.constant 0 : index
    %get3A_886 = arith.constant 0 : index
    %get3A_887 = vector.load %arg21[%get3A_885, %get3A_886] : memref<1x768xf32, #tpu.memory_space<vmem>>, vector<1x768xf32>
    %add3A_888 = vector.broadcast %get3A_887 : vector<1x768xf32> to vector<197x768xf32>
    %add3A_889 = arith.addf %dot_general3A_884, %add3A_888 : vector<197x768xf32>
    %mul3A_890 = vector.broadcast %select_n3A_592 : vector<197x1xf32> to vector<197x768xf32>
    %mul3A_891 = arith.mulf %mul3A_890, %add3A_889 : vector<197x768xf32>
    %add3A_892 = arith.addf %get3A_443, %mul3A_891 : vector<197x768xf32>
    %swap3A_893 = arith.constant 1 : index
    %swap3A_894 = arith.constant 0 : index
    %swap3A_895 = arith.constant 0 : index
    %swap3A_896 = vector.load %arg22[%swap3A_893, %swap3A_894, %swap3A_895] : memref<2x197x768xf32, #tpu.memory_space<vmem>>, vector<1x197x768xf32>
    %swap3A_897 = vector.shape_cast %swap3A_896 : vector<1x197x768xf32> to vector<197x768xf32>
    %swap3A_898 = vector.shape_cast %add3A_892 : vector<197x768xf32> to vector<1x197x768xf32>
    tpu.vector_store %arg22[%swap3A_893, %swap3A_894, %swap3A_895], %swap3A_898 {strides = array<i32>} : memref<2x197x768xf32, #tpu.memory_space<vmem>>, vector<1x197x768xf32>,
    return
  }
  func.func @transform_0(%arg0: i32) -> (i32, i32, i32) {
    %c0_i32 = arith.constant 0 : i32
    %c0_i32_0 = arith.constant 0 : i32
    %c0_i32_1 = arith.constant 0 : i32
    return %arg0, %c0_i32, %c0_i32_0 : i32, i32, i32
  }
  func.func @transform_1(%arg0: i32) -> (i32, i32) {
    %c0_i32 = arith.constant 0 : i32
    %c0_i32_0 = arith.constant 0 : i32
    %c0_i32_1 = arith.constant 0 : i32
    return %c0_i32, %c0_i32_0 : i32, i32
  }
  func.func @transform_2(%arg0: i32) -> (i32, i32) {
    %c0_i32 = arith.constant 0 : i32
    %c0_i32_0 = arith.constant 0 : i32
    %c0_i32_1 = arith.constant 0 : i32
    return %c0_i32, %c0_i32_0 : i32, i32
  }
  func.func @transform_3(%arg0: i32) -> (i32, i32) {
    %c0_i32 = arith.constant 0 : i32
    %c0_i32_0 = arith.constant 0 : i32
    %c0_i32_1 = arith.constant 0 : i32
    return %c0_i32, %c0_i32_0 : i32, i32
  }
  func.func @transform_4(%arg0: i32) -> (i32, i32) {
    %c0_i32 = arith.constant 0 : i32
    %c0_i32_0 = arith.constant 0 : i32
    %c0_i32_1 = arith.constant 0 : i32
    return %c0_i32, %c0_i32_0 : i32, i32
  }
  func.func @transform_5(%arg0: i32) -> (i32, i32) {
    %c0_i32 = arith.constant 0 : i32
    %c0_i32_0 = arith.constant 0 : i32
    %c0_i32_1 = arith.constant 0 : i32
    return %c0_i32, %c0_i32_0 : i32, i32
  }
  func.func @transform_6(%arg0: i32) -> (i32, i32) {
    %c0_i32 = arith.constant 0 : i32
    %c0_i32_0 = arith.constant 0 : i32
    %c0_i32_1 = arith.constant 0 : i32
    return %c0_i32, %c0_i32_0 : i32, i32
  }
  func.func @transform_7(%arg0: i32) -> (i32, i32) {
    %c0_i32 = arith.constant 0 : i32
    %c0_i32_0 = arith.constant 0 : i32
    %c0_i32_1 = arith.constant 0 : i32
    return %c0_i32, %c0_i32_0 : i32, i32
  }
  func.func @transform_8(%arg0: i32) -> (i32, i32) {
    %c0_i32 = arith.constant 0 : i32
    %c0_i32_0 = arith.constant 0 : i32
    %c0_i32_1 = arith.constant 0 : i32
    return %c0_i32, %c0_i32_0 : i32, i32
  }
  func.func @transform_9(%arg0: i32) -> (i32, i32) {
    %c0_i32 = arith.constant 0 : i32
    %c0_i32_0 = arith.constant 0 : i32
    %c0_i32_1 = arith.constant 0 : i32
    return %c0_i32, %c0_i32_0 : i32, i32
  }
  func.func @transform_10(%arg0: i32) -> (i32, i32) {
    %c0_i32 = arith.constant 0 : i32
    %c0_i32_0 = arith.constant 0 : i32
    %c0_i32_1 = arith.constant 0 : i32
    return %c0_i32, %c0_i32_0 : i32, i32
  }
  func.func @transform_11(%arg0: i32) -> (i32, i32) {
    %c0_i32 = arith.constant 0 : i32
    %c0_i32_0 = arith.constant 0 : i32
    %c0_i32_1 = arith.constant 0 : i32
    return %c0_i32, %c0_i32_0 : i32, i32
  }
  func.func @transform_12(%arg0: i32) -> (i32, i32) {
    %c0_i32 = arith.constant 0 : i32
    %c0_i32_0 = arith.constant 0 : i32
    %c0_i32_1 = arith.constant 0 : i32
    return %c0_i32, %c0_i32_0 : i32, i32
  }
  func.func @transform_13(%arg0: i32) -> (i32, i32) {
    %c0_i32 = arith.constant 0 : i32
    %c0_i32_0 = arith.constant 0 : i32
    %c0_i32_1 = arith.constant 0 : i32
    return %c0_i32, %c0_i32_0 : i32, i32
  }
  func.func @transform_14(%arg0: i32) -> (i32, i32) {
    %c0_i32 = arith.constant 0 : i32
    %c0_i32_0 = arith.constant 0 : i32
    %c0_i32_1 = arith.constant 0 : i32
    return %c0_i32, %c0_i32_0 : i32, i32
  }
  func.func @transform_15(%arg0: i32) -> (i32, i32) {
    %c0_i32 = arith.constant 0 : i32
    %c0_i32_0 = arith.constant 0 : i32
    %c0_i32_1 = arith.constant 0 : i32
    return %c0_i32, %c0_i32_0 : i32, i32
  }
  func.func @transform_16(%arg0: i32) -> (i32, i32) {
    %c0_i32 = arith.constant 0 : i32
    %c0_i32_0 = arith.constant 0 : i32
    %c0_i32_1 = arith.constant 0 : i32
    return %c0_i32, %c0_i32_0 : i32, i32
  }
  func.func @transform_17(%arg0: i32) -> (i32, i32) {
    %c0_i32 = arith.constant 0 : i32
    %c0_i32_0 = arith.constant 0 : i32
    %c0_i32_1 = arith.constant 0 : i32
    return %c0_i32, %c0_i32_0 : i32, i32
  }
  func.func @transform_18(%arg0: i32) -> (i32, i32) {
    %c0_i32 = arith.constant 0 : i32
    %c0_i32_0 = arith.constant 0 : i32
    %c0_i32_1 = arith.constant 0 : i32
    return %c0_i32, %c0_i32_0 : i32, i32
  }
  func.func @transform_19(%arg0: i32) -> (i32, i32) {
    %c0_i32 = arith.constant 0 : i32
    %c0_i32_0 = arith.constant 0 : i32
    %c0_i32_1 = arith.constant 0 : i32
    return %c0_i32, %c0_i32_0 : i32, i32
  }
  func.func @transform_20(%arg0: i32) -> (i32, i32) {
    %c0_i32 = arith.constant 0 : i32
    %c0_i32_0 = arith.constant 0 : i32
    %c0_i32_1 = arith.constant 0 : i32
    return %c0_i32, %c0_i32_0 : i32, i32
  }
  func.func @transform_21(%arg0: i32) -> (i32, i32, i32) {
    %c0_i32 = arith.constant 0 : i32
    %c0_i32_0 = arith.constant 0 : i32
    %c0_i32_1 = arith.constant 0 : i32
    return %arg0, %c0_i32, %c0_i32_0 : i32, i32, i32
  }
  func.func @transform_22(%arg0: i32) -> (i32, i32, i32) {
    %c0_i32 = arith.constant 0 : i32
    %c0_i32_0 = arith.constant 0 : i32
    %c0_i32_1 = arith.constant 0 : i32
    return %arg0, %c0_i32, %c0_i32_0 : i32, i32, i32
  }
  func.func @transform_23(%arg0: i32) -> (i32, i32, i32) {
    %c0_i32 = arith.constant 0 : i32
    %c0_i32_0 = arith.constant 0 : i32
    %c0_i32_1 = arith.constant 0 : i32
    return %arg0, %c0_i32, %c0_i32_0 : i32, i32, i32
  }
}

module attributes {stable_mosaic.version = 14 : i64} {
  func.func @_ffn_kernel(%arg0: i32, %arg1: memref<512x768xf32, #tpu.memory_space<vmem>>, %arg2: memref<512x1xf32, #tpu.memory_space<vmem>>, %arg3: memref<512x1xf32, #tpu.memory_space<vmem>>, %arg4: memref<1x768xf32, #tpu.memory_space<vmem>>, %arg5: memref<1x768xf32, #tpu.memory_space<vmem>>, %arg6: memref<768x3072xbf16, #tpu.memory_space<vmem>>, %arg7: memref<1x3072xf32, #tpu.memory_space<vmem>>, %arg8: memref<3072x768xbf16, #tpu.memory_space<vmem>>, %arg9: memref<1x768xf32, #tpu.memory_space<vmem>>, %arg10: memref<768x768xbf16, #tpu.memory_space<vmem>>, %arg11: memref<768x768xbf16, #tpu.memory_space<vmem>>, %arg12: memref<512x768xf32, #tpu.memory_space<vmem>>) attributes {dimension_semantics = [#tpu.dimension_semantics<arbitrary>], iteration_bounds = array<i64: 25>, scalar_prefetch = 0 : i64, scratch_operands = 0 : i64, tpu.core_type = #tpu.core_type<tc>, window_params = [{transform_indices = @transform_0, window_bounds = array<i64: 512, 768>}, {transform_indices = @transform_1, window_bounds = array<i64: 512, 1>}, {transform_indices = @transform_2, window_bounds = array<i64: 512, 1>}, {pipeline_mode = #tpu.pipeline_mode<synchronous>, transform_indices = @transform_3, window_bounds = array<i64: 1, 768>}, {pipeline_mode = #tpu.pipeline_mode<synchronous>, transform_indices = @transform_4, window_bounds = array<i64: 1, 768>}, {pipeline_mode = #tpu.pipeline_mode<synchronous>, transform_indices = @transform_5, window_bounds = array<i64: 768, 3072>}, {pipeline_mode = #tpu.pipeline_mode<synchronous>, transform_indices = @transform_6, window_bounds = array<i64: 1, 3072>}, {pipeline_mode = #tpu.pipeline_mode<synchronous>, transform_indices = @transform_7, window_bounds = array<i64: 3072, 768>}, {pipeline_mode = #tpu.pipeline_mode<synchronous>, transform_indices = @transform_8, window_bounds = array<i64: 1, 768>}, {pipeline_mode = #tpu.pipeline_mode<synchronous>, transform_indices = @transform_9, window_bounds = array<i64: 768, 768>}, {pipeline_mode = #tpu.pipeline_mode<synchronous>, transform_indices = @transform_10, window_bounds = array<i64: 768, 768>}, {transform_indices = @transform_11, window_bounds = array<i64: 512, 768>}]} {
    %get3A = arith.constant 0 : index
    %get3A_0 = arith.constant 0 : index
    %get3A_1 = vector.load %arg1[%get3A, %get3A_0] : memref<512x768xf32, #tpu.memory_space<vmem>>, vector<512x768xf32>
    %reduce_sum3A = arith.constant dense<0.000000e+00> : vector<512xf32>
    %reduce_sum3A_2 = vector.multi_reduction <add>, %get3A_1, %reduce_sum3A [1] : vector<512x768xf32> to vector<512xf32>
    %broadcast_in_dim3A = vector.shape_cast %reduce_sum3A_2 : vector<512xf32> to vector<512x1xf32>
    %div3A = arith.constant 7.680000e+02 : f32
    %div3A_3 = vector.broadcast %div3A : f32 to vector<512x1xf32>
    %div3A_4 = arith.divf %broadcast_in_dim3A, %div3A_3 : vector<512x1xf32>
    %sub3A = vector.broadcast %div3A_4 : vector<512x1xf32> to vector<512x768xf32>
    %sub3A_5 = arith.subf %get3A_1, %sub3A : vector<512x768xf32>
    %integer_pow3A = arith.mulf %sub3A_5, %sub3A_5 : vector<512x768xf32>
    %reduce_sum3A_6 = arith.constant dense<0.000000e+00> : vector<512xf32>
    %reduce_sum3A_7 = vector.multi_reduction <add>, %integer_pow3A, %reduce_sum3A_6 [1] : vector<512x768xf32> to vector<512xf32>
    %broadcast_in_dim3A_8 = vector.shape_cast %reduce_sum3A_7 : vector<512xf32> to vector<512x1xf32>
    %div3A_9 = arith.constant 7.680000e+02 : f32
    %div3A_10 = vector.broadcast %div3A_9 : f32 to vector<512x1xf32>
    %div3A_11 = arith.divf %broadcast_in_dim3A_8, %div3A_10 : vector<512x1xf32>
    %sub3A_12 = vector.broadcast %div3A_4 : vector<512x1xf32> to vector<512x768xf32>
    %sub3A_13 = arith.subf %get3A_1, %sub3A_12 : vector<512x768xf32>
    %add3A = arith.constant 9.99999974E-6 : f32
    %add3A_14 = vector.broadcast %add3A : f32 to vector<512x1xf32>
    %add3A_15 = arith.addf %div3A_11, %add3A_14 : vector<512x1xf32>
    %sqrt3A = math.sqrt %add3A_15 : vector<512x1xf32>
    %div3A_16 = vector.broadcast %sqrt3A : vector<512x1xf32> to vector<512x768xf32>
    %div3A_17 = arith.divf %sub3A_13, %div3A_16 : vector<512x768xf32>
    %get3A_18 = arith.constant 0 : index
    %get3A_19 = arith.constant 0 : index
    %get3A_20 = vector.load %arg4[%get3A_18, %get3A_19] : memref<1x768xf32, #tpu.memory_space<vmem>>, vector<1x768xf32>
    %mul3A = vector.broadcast %get3A_20 : vector<1x768xf32> to vector<512x768xf32>
    %mul3A_21 = arith.mulf %div3A_17, %mul3A : vector<512x768xf32>
    %get3A_22 = arith.constant 0 : index
    %get3A_23 = arith.constant 0 : index
    %get3A_24 = vector.load %arg5[%get3A_22, %get3A_23] : memref<1x768xf32, #tpu.memory_space<vmem>>, vector<1x768xf32>
    %add3A_25 = vector.broadcast %get3A_24 : vector<1x768xf32> to vector<512x768xf32>
    %add3A_26 = arith.addf %mul3A_21, %add3A_25 : vector<512x768xf32>
    %convert_element_type3A = arith.truncf %add3A_26 : vector<512x768xf32> to vector<512x768xbf16>
    %get3A_27 = arith.constant 0 : index
    %get3A_28 = arith.constant 0 : index
    %get3A_29 = vector.load %arg6[%get3A_27, %get3A_28] : memref<768x3072xbf16, #tpu.memory_space<vmem>>, vector<768x3072xbf16>
    %dot_general3A = arith.constant dense<0.000000e+00> : vector<512x3072xf32>
    %dot_general3A_30 = tpu.matmul %convert_element_type3A, %get3A_29, %dot_general3A {dimension_numbers = #tpu.dot_dimension_numbers<[1], [0], [0], [1], [0, 0, 1, 1], [], []>, transpose_lhs_hint = false} : vector<512x768xbf16>, vector<768x3072xbf16>, vector<512x3072xf32> -> vector<512x3072xf32>
    %get3A_31 = arith.constant 0 : index
    %get3A_32 = arith.constant 0 : index
    %get3A_33 = vector.load %arg7[%get3A_31, %get3A_32] : memref<1x3072xf32, #tpu.memory_space<vmem>>, vector<1x3072xf32>
    %add3A_34 = vector.broadcast %get3A_33 : vector<1x3072xf32> to vector<512x3072xf32>
    %add3A_35 = arith.addf %dot_general3A_30, %add3A_34 : vector<512x3072xf32>
    %integer_pow3A_36 = arith.mulf %add3A_35, %add3A_35 : vector<512x3072xf32>
    %integer_pow3A_37 = arith.mulf %add3A_35, %integer_pow3A_36 : vector<512x3072xf32>
    %mul3A_38 = arith.constant 4.471500e-02 : f32
    %mul3A_39 = vector.broadcast %mul3A_38 : f32 to vector<512x3072xf32>
    %mul3A_40 = arith.mulf %mul3A_39, %integer_pow3A_37 : vector<512x3072xf32>
    %add3A_41 = arith.addf %add3A_35, %mul3A_40 : vector<512x3072xf32>
    %mul3A_42 = arith.constant 0.797884583 : f32
    %mul3A_43 = vector.broadcast %mul3A_42 : f32 to vector<512x3072xf32>
    %mul3A_44 = arith.mulf %mul3A_43, %add3A_41 : vector<512x3072xf32>
    %tanh3A = math.tanh %mul3A_44 : vector<512x3072xf32>
    %add3A_45 = arith.constant 1.000000e+00 : f32
    %add3A_46 = vector.broadcast %add3A_45 : f32 to vector<512x3072xf32>
    %add3A_47 = arith.addf %add3A_46, %tanh3A : vector<512x3072xf32>
    %mul3A_48 = arith.constant 5.000000e-01 : f32
    %mul3A_49 = vector.broadcast %mul3A_48 : f32 to vector<512x3072xf32>
    %mul3A_50 = arith.mulf %mul3A_49, %add3A_47 : vector<512x3072xf32>
    %mul3A_51 = arith.mulf %add3A_35, %mul3A_50 : vector<512x3072xf32>
    %convert_element_type3A_52 = arith.truncf %mul3A_51 : vector<512x3072xf32> to vector<512x3072xbf16>
    %get3A_53 = arith.constant 0 : index
    %get3A_54 = arith.constant 0 : index
    %get3A_55 = vector.load %arg8[%get3A_53, %get3A_54] : memref<3072x768xbf16, #tpu.memory_space<vmem>>, vector<3072x768xbf16>
    %dot_general3A_56 = arith.constant dense<0.000000e+00> : vector<512x768xf32>
    %dot_general3A_57 = tpu.matmul %convert_element_type3A_52, %get3A_55, %dot_general3A_56 {dimension_numbers = #tpu.dot_dimension_numbers<[1], [0], [0], [1], [0, 0, 1, 1], [], []>, transpose_lhs_hint = false} : vector<512x3072xbf16>, vector<3072x768xbf16>, vector<512x768xf32> -> vector<512x768xf32>
    %get3A_58 = arith.constant 0 : index
    %get3A_59 = arith.constant 0 : index
    %get3A_60 = vector.load %arg9[%get3A_58, %get3A_59] : memref<1x768xf32, #tpu.memory_space<vmem>>, vector<1x768xf32>
    %add3A_61 = vector.broadcast %get3A_60 : vector<1x768xf32> to vector<512x768xf32>
    %add3A_62 = arith.addf %dot_general3A_57, %add3A_61 : vector<512x768xf32>
    %get3A_63 = arith.constant 0 : index
    %get3A_64 = arith.constant 0 : index
    %get3A_65 = vector.load %arg2[%get3A_63, %get3A_64] : memref<512x1xf32, #tpu.memory_space<vmem>>, vector<512x1xf32>
    %get3A_66 = arith.constant 0 : index
    %get3A_67 = arith.constant 0 : index
    %get3A_68 = vector.load %arg3[%get3A_66, %get3A_67] : memref<512x1xf32, #tpu.memory_space<vmem>>, vector<512x1xf32>
    %mul3A_69 = vector.broadcast %get3A_68 : vector<512x1xf32> to vector<512x768xf32>
    %mul3A_70 = arith.mulf %mul3A_69, %add3A_62 : vector<512x768xf32>
    %add3A_71 = arith.addf %get3A_1, %mul3A_70 : vector<512x768xf32>
    %convert_element_type3A_72 = arith.truncf %add3A_71 : vector<512x768xf32> to vector<512x768xbf16>
    %sub3A_73 = arith.constant 1.000000e+00 : f32
    %sub3A_74 = vector.broadcast %sub3A_73 : f32 to vector<512x1xf32>
    %sub3A_75 = arith.subf %sub3A_74, %get3A_65 : vector<512x1xf32>
    %sub3A_76 = arith.constant 1.000000e+00 : f32
    %sub3A_77 = vector.broadcast %sub3A_76 : f32 to vector<512x1xf32>
    %sub3A_78 = arith.subf %sub3A_77, %get3A_68 : vector<512x1xf32>
    %mul3A_79 = arith.mulf %sub3A_75, %sub3A_78 : vector<512x1xf32>
    %sub3A_80 = arith.constant 1.000000e+00 : f32
    %sub3A_81 = vector.broadcast %sub3A_80 : f32 to vector<512x1xf32>
    %sub3A_82 = arith.subf %sub3A_81, %get3A_65 : vector<512x1xf32>
    %mul3A_83 = arith.mulf %sub3A_82, %get3A_68 : vector<512x1xf32>
    %sub3A_84 = arith.constant 1.000000e+00 : f32
    %sub3A_85 = vector.broadcast %sub3A_84 : f32 to vector<512x1xf32>
    %sub3A_86 = arith.subf %sub3A_85, %get3A_68 : vector<512x1xf32>
    %mul3A_87 = arith.mulf %get3A_65, %sub3A_86 : vector<512x1xf32>
    %get3A_88 = arith.constant 0 : index
    %get3A_89 = arith.constant 0 : index
    %get3A_90 = vector.load %arg10[%get3A_88, %get3A_89] : memref<768x768xbf16, #tpu.memory_space<vmem>>, vector<768x768xbf16>
    %dot_general3A_91 = arith.constant dense<0.000000e+00> : vector<512x768xf32>
    %dot_general3A_92 = tpu.matmul %convert_element_type3A_72, %get3A_90, %dot_general3A_91 {dimension_numbers = #tpu.dot_dimension_numbers<[1], [0], [0], [1], [0, 0, 1, 1], [], []>, transpose_lhs_hint = false} : vector<512x768xbf16>, vector<768x768xbf16>, vector<512x768xf32> -> vector<512x768xf32>
    %broadcast_in_dim3A_93 = vector.shape_cast %mul3A_79 : vector<512x1xf32> to vector<512x1xf32>
    %broadcast_in_dim3A_94 = vector.broadcast %broadcast_in_dim3A_93 : vector<512x1xf32> to vector<512x256xf32>
    %broadcast_in_dim3A_95 = vector.shape_cast %mul3A_83 : vector<512x1xf32> to vector<512x1xf32>
    %broadcast_in_dim3A_96 = vector.broadcast %broadcast_in_dim3A_95 : vector<512x1xf32> to vector<512x256xf32>
    %broadcast_in_dim3A_97 = vector.shape_cast %mul3A_87 : vector<512x1xf32> to vector<512x1xf32>
    %broadcast_in_dim3A_98 = vector.broadcast %broadcast_in_dim3A_97 : vector<512x1xf32> to vector<512x256xf32>
    %concatenate3A = tpu.concatenate %broadcast_in_dim3A_94, %broadcast_in_dim3A_96, %broadcast_in_dim3A_98 in 1 : vector<512x256xf32>, vector<512x256xf32>, vector<512x256xf32> -> vector<512x768xf32>
    %mul3A_99 = arith.mulf %dot_general3A_92, %concatenate3A : vector<512x768xf32>
    %convert_element_type3A_100 = arith.truncf %mul3A_99 : vector<512x768xf32> to vector<512x768xbf16>
    %get3A_101 = arith.constant 0 : index
    %get3A_102 = arith.constant 0 : index
    %get3A_103 = vector.load %arg11[%get3A_101, %get3A_102] : memref<768x768xbf16, #tpu.memory_space<vmem>>, vector<768x768xbf16>
    %dot_general3A_104 = arith.constant dense<0.000000e+00> : vector<512x768xf32>
    %dot_general3A_105 = tpu.matmul %convert_element_type3A_100, %get3A_103, %dot_general3A_104 {dimension_numbers = #tpu.dot_dimension_numbers<[1], [0], [0], [1], [0, 0, 1, 1], [], []>, transpose_lhs_hint = false} : vector<512x768xbf16>, vector<768x768xbf16>, vector<512x768xf32> -> vector<512x768xf32>
    %add3A_106 = arith.addf %add3A_71, %dot_general3A_105 : vector<512x768xf32>
    %swap3A = arith.constant 0 : index
    %swap3A_107 = arith.constant 0 : index
    %swap3A_108 = vector.load %arg12[%swap3A, %swap3A_107] : memref<512x768xf32, #tpu.memory_space<vmem>>, vector<512x768xf32>
    tpu.vector_store %arg12[%swap3A, %swap3A_107], %add3A_106 {strides = array<i32>} : memref<512x768xf32, #tpu.memory_space<vmem>>, vector<512x768xf32>,
    return
  }
  func.func @transform_0(%arg0: i32) -> (i32, i32) {
    %c0_i32 = arith.constant 0 : i32
    %c0_i32_0 = arith.constant 0 : i32
    return %arg0, %c0_i32 : i32, i32
  }
  func.func @transform_1(%arg0: i32) -> (i32, i32) {
    %c0_i32 = arith.constant 0 : i32
    %c0_i32_0 = arith.constant 0 : i32
    return %arg0, %c0_i32 : i32, i32
  }
  func.func @transform_2(%arg0: i32) -> (i32, i32) {
    %c0_i32 = arith.constant 0 : i32
    %c0_i32_0 = arith.constant 0 : i32
    return %arg0, %c0_i32 : i32, i32
  }
  func.func @transform_3(%arg0: i32) -> (i32, i32) {
    %c0_i32 = arith.constant 0 : i32
    %c0_i32_0 = arith.constant 0 : i32
    %c0_i32_1 = arith.constant 0 : i32
    return %c0_i32, %c0_i32_0 : i32, i32
  }
  func.func @transform_4(%arg0: i32) -> (i32, i32) {
    %c0_i32 = arith.constant 0 : i32
    %c0_i32_0 = arith.constant 0 : i32
    %c0_i32_1 = arith.constant 0 : i32
    return %c0_i32, %c0_i32_0 : i32, i32
  }
  func.func @transform_5(%arg0: i32) -> (i32, i32) {
    %c0_i32 = arith.constant 0 : i32
    %c0_i32_0 = arith.constant 0 : i32
    %c0_i32_1 = arith.constant 0 : i32
    return %c0_i32, %c0_i32_0 : i32, i32
  }
  func.func @transform_6(%arg0: i32) -> (i32, i32) {
    %c0_i32 = arith.constant 0 : i32
    %c0_i32_0 = arith.constant 0 : i32
    %c0_i32_1 = arith.constant 0 : i32
    return %c0_i32, %c0_i32_0 : i32, i32
  }
  func.func @transform_7(%arg0: i32) -> (i32, i32) {
    %c0_i32 = arith.constant 0 : i32
    %c0_i32_0 = arith.constant 0 : i32
    %c0_i32_1 = arith.constant 0 : i32
    return %c0_i32, %c0_i32_0 : i32, i32
  }
  func.func @transform_8(%arg0: i32) -> (i32, i32) {
    %c0_i32 = arith.constant 0 : i32
    %c0_i32_0 = arith.constant 0 : i32
    %c0_i32_1 = arith.constant 0 : i32
    return %c0_i32, %c0_i32_0 : i32, i32
  }
  func.func @transform_9(%arg0: i32) -> (i32, i32) {
    %c0_i32 = arith.constant 0 : i32
    %c0_i32_0 = arith.constant 0 : i32
    %c0_i32_1 = arith.constant 0 : i32
    return %c0_i32, %c0_i32_0 : i32, i32
  }
  func.func @transform_10(%arg0: i32) -> (i32, i32) {
    %c0_i32 = arith.constant 0 : i32
    %c0_i32_0 = arith.constant 0 : i32
    %c0_i32_1 = arith.constant 0 : i32
    return %c0_i32, %c0_i32_0 : i32, i32
  }
  func.func @transform_11(%arg0: i32) -> (i32, i32) {
    %c0_i32 = arith.constant 0 : i32
    %c0_i32_0 = arith.constant 0 : i32
    return %arg0, %c0_i32 : i32, i32
  }
}

</mosaic_0001>

<sc_bundles>
// kernel: sparse-core-data-format-call.cloned.1.call-start
scs
called_computation_lowered:
.L_overlay_start_0:
0x0: {  	s2 =	sld [smem:$0x3FD9]  }
0x1: {  	s3 =	sld [smem:$0x3FFE];
	_ =	sdelay $0x1  }
0x2: {  	s1 =	srdreg.scid  }
0x3: {  	s0 =	sand.u32 $0x1, s1  }
0x4: {  	s18 =	sshll.u32 s0, $0xA;
	s2 =	sadd.s32 s3, s2  }
0x5: {  	s2 =	sadd.s32 s2, s18  }
0x6: {  	[smem:$0x3FA7] =	sst s2  }
0x7: {  	_ = 	snop  }
0x8: {  	s2 =	sld [smem:$0x3FD0];
	(tm) =	ssettm $0x1  }
0x9: {  	s19 =	sld [smem:$0x3FFB];
	_ =	sdelay $0x3  }
0xa: {  	_ =	strace s19  }
0xb: {  	s3 =	sld [smem:$0x3FFC];
	_ =	sdelay $0x3  }
0xc: {  	_ =	strace s3  }
0xd: {  	s3 =	sld [smem:$0x3FFD];
	_ =	sdelay $0x3  }
0xe: {  	_ =	strace s3  }
0xf: {  	_ =	strace $0x8FFFFFFF  }
0x10: {  	s20 =	sld [smem:$0x3FDB];
	_ =	sdelay $0x1  }
0x11: {  	s4 =	simm.s32 $_scs_section_size  }
0x12: {  	s5 =	simm.s32 $_size__tile_overlayer_lowered;
	s6 =	simm.s32 $_tile_overlayer_lowered  }
0x13: {  	s23 =	simm.s32 $0x1BFF;
	s22 =	sshll.u32 s6, $0x1;
	s3 =	sadd.s32 s4, s20  }
0x14: {  	s7 =	simm.s32 $0x0;
	s21 =	sshll.u32 s5, $0x1;
	s5 =	sadd.s32 s22, s3  }
0x15: {  	[timem:s7], [sflag:s23] =	dma.local [hbm:s5], s21  }
0x16: {  	_ =	swait.ge [sflag:s23], s21  }
0x17: {  	s4 =	ssub.s32 $0x0, s21;
	[sflag:s23] =	ssyncset.done $0x0  }
0x18: {  	[sflag:s23] =	ssyncadd.s32 s4;
	_ =	sdelay $0x1  }
0x19: {  	s24 =	simm.s32 $0x1B8B  }
0x1a: {  	_ =	swait.ge [sflag:s24], $0x1  }
0x1b: {  	[sflag:s24] =	ssyncset.done $0x0  }
0x1c: {  	s26 =	simm.s32 $0x1B8E;
	s25 =	sld [smem:$0x3FFE];
	[sflag:s24] =	ssyncadd.s32 $0xFFFFFFFF  }
0x1d: {  	s27 =	simm.s32 $execute0_lowered;
	[smem:$0x3FD2] =	sst s26  }
0x1e: {  	s5 =	sshll.u32 s27, $0x1;
	_ =	strace $0x80000046;
	[dreg:$0x1] =	wrdreg $0xFFFFFFFF  }
0x1f: {  	s28 =	simm.s32 $_size_execute0_lowered;
	s3 =	sadd.s32 s3, s5;
	[dreg:$0x0] =	wrdreg $0x0  }
0x20: {  	s5 =	sshll.u32 s28, $0x1;
	[dreg:$0x2] =	wrdreg s3  }
0x21: {  	[dreg:$0x3] =	wrdreg s5  }
0x22: {  	[dreg:$0x4] =	wrdreg $0xC0  }
0x23: {  	_ =	task [dreg:s7], $0x5FFFF  }
0x24: {  	[dreg:$0x1] =	wrdreg $0xFFFFFFFF  }
0x25: {  	[dreg:$0x0] =	wrdreg $0x60  }
0x26: {  	[dreg:$0x2] =	wrdreg s25  }
0x27: {  	[dreg:$0x3] =	wrdreg s2  }
0x28: {  	[dreg:$0x4] =	wrdreg $0x9  }
0x29: {  	_ =	task.clear_ibuf [dreg:s7], $0x5FFFF;
	_ =	strace $0x90000046  }
0x2a: {  	s29 =	simm.s32 $0x9;
	_ =	strace $0x80000048  }
0x2b: {  	_ =	swait.ge [sflag:s29], $0x1  }
0x2c: {  	[sflag:s29] =	ssyncadd.s32 $0xFFFFFFFF  }
0x2d: {  	_ =	strace $0x90000048  }
0x2e: {  	_ =	sfence  }
0x2f: {  	s30 =	sld [smem:$0x0];
	_ =	sdelay $0x2  }
0x30: {  	s31 =	sshll.u32 s1, $0xD;
	s1 =	sshrl.u32 s1, $0x2  }
0x31: {  	s3 =	sand.u32 $0x4000, s31;
	s1 =	sadd.s32 s1, s30  }
0x32: {  	s0 =	sor.u32 s3, s0;
	s1 =	sshll.u32 s1, $0x11  }
0x33: {  	s0 =	sor.u32 s1, s0  }
0x34: {  	s0 =	sadd.s32 $0x8F2B, s0  }
0x35: {  	[sflag:s0] =	ssyncadd.remote.s32 $0x1  }
0x36: {  	_ =	sfence.sel $0xFFFF  }
0x37: {  	[dreg:$0x0] =	wrdreg $0xFFFFFFFF;
	(pc) =	sbr.abs _section_cstart, $3  }
0x38: {  	[dreg:$0x1] =	wrdreg $0xFFFFFFFF  }
0x39: {  	_ =	task.clear_ibuf [dreg:s7], $0x2FFFF;
	_ =	strace $0x9FFFFFFF  }
0x3a: {  	(tm) =	ssettm $0x7FFFFFFF  }
0x3b: {  	_ =	shalt  }
tec
execute0_lowered:
.L_overlay_start_1:
0x0: {  	(tag) =	ssettag $0x1  }
0x1: {  	s0 =	srdreg.scid;
	s5 =	rddreg [dreg:$0x0]  }
0x2: {  	s2 =	rddreg [dreg:$0x1];
	s4 =	simm.s32 $0x1;
	s7 =	simm.s32 $0x2  }
0x3: {  	s16 =	simm.s32 $0x0;
	s18 =	simm.s32 $0x0;
	s1 =	sshll.u32 s0, $0x4  }
0x4: {  	s17 =	simm.s32 $0x0;
	s0 =	stileid.u32;
	s1 =	sand.u32 $0x10, s1  }
0x5: {  	s9 =	simm.s32 $0x0;
	s10 =	simm.s32 $0x0;
	s1 =	sor.u32 s0, s1  }
0x6: {  	s12 =	simm.s32 $0x0;
	s11 =	simm.s32 $0x0;
	s3 =	sshll.u32 s1, $0x1  }
.Ltmp0:
0x7: {  	s14 =	simm.s32 $0x0;
	s6 =	ssub.s32 $0xC4, s3;
	(pc) =	sbr.rel .LBB1_1-.Ltmp0, $4  }
0x8: {  	s1 =	rddreg [dreg:$0x2];
	_ =	strace $0x80000047;
	s6 =	sshrl.u32 s6, $0x6  }
0x9: {  	s15 =	simm.s32 $0x0;
	[sflag:s4] =	ssyncpa.u1 $0x0;
	s8 =	smul.u32 $0x6, s6  }
0xa: {  	s5 =	sadd.s32 $0x5200, s5;
	s13 =	smov.u32 s3;
	[sflag:s7] =	ssyncpa.u1 $0x0  }
0xb: {  	s6 =	sadd.s32 $0x6, s8;
	s7 =	sadd.s32 $0x7, s8;
	s8 =	simm.s32 $0x1800  }
.LBB1_7:
0xc: {  	p0 =	slt.u32 s15, $0x2  }
0xd: {  	p1 =	sgt.s32 @!p0 s18, $0xC3  }
0xe: {  	s19 =	smov.u32 s18;
	s20 =	sshra.s32 @!p0 s18, $0x1F;
	p1 =	por !p1, p0  }
0xf: {  	s18 =	sand.u32 @!p0 s20, s18;
	s19 =	simm.s32 @p1 $0xC3  }
0x10: {  	p2 =	sgt.s32 @!p0 s16, $0x280;
	s18 =	ssub.s32 @!p0 s19, s18  }
0x11: {  	p2 =	por !p2, p0;
	s20 =	sshra.s32 @!p0 s16, $0x1F;
	s19 =	sadd.s32 @!p0 $0xFFFFFF3D, s18  }
0x12: {  	s18 =	ssub.s32 @!p0 $0xC5, s18;
	p1 =	sgt.s32 @!p0 s19, $0x1;
	s19 =	ssub.s32 @!p0 $0x0, s17  }
0x13: {  	p1 =	por !p1, p0;
	s17 =	smin.u32 @!p0 s17, s19;
	s19 =	smov.u32 s16  }
0x14: {  	s16 =	sand.u32 @!p0 s20, s16;
	s20 =	smov.u32 s13;
	s19 =	simm.s32 @p2 $0x280  }
0x15: {  	p2 =	sgt.s32 @!p0 s17, $0x3F;
	s17 =	ssub.s32 @!p0 $0x40, s17;
	s16 =	ssub.s32 @!p0 s19, s16  }
0x16: {  	s18 =	simm.s32 @!p1 $0x0;
	p2 =	por !p2, p0;
	s19 =	sadd.s32 @!p0 $0xFFFFFD80, s16  }
0x17: {  	s17 =	simm.s32 @!p2 $0x0;
	s16 =	ssub.s32 @!p0 $0x300, s16;
	p1 =	sgt.s32 @!p0 s19, $0x7F  }
0x18: {  	s17 =	smul.u32 @!p0 s17, s18;
	s19 =	sadd.s32 $0x80, s11;
	p1 =	por !p1, p0  }
0x19: {  	s18 =	sadd.s32 $0x40, s13;
	s16 =	simm.s32 @!p1 $0x0;
	p1 =	sgt.s32 s19, $0x2FF  }
0x1a: {  	s21 =	smov.u32 s14;
	s20 =	smov.u32 @p1 s18  }
0x1b: {  	s16 =	smul.u32 @!p0 s16, s17;
	s17 =	sadd.s32 $0x40, s14;
	p2 =	sgt.s32 s20, $0xC4  }
0x1c: {  	s22 =	simm.s32 @!p0 $0x2;
	s21 =	smov.u32 @p2 s17  }
0x1d: {  	s19 =	simm.s32 @p1 $0x0;
	s18 =	smov.u32 s10;
	p1 =	sgt.s32 s21, $0x3F  }
0x1e: {  	s10 =	smov.u32 s13;
	s21 =	simm.s32 @p1 $0x0;
	p1 =	sne.s32 s15, s7  }
.Ltmp1:
0x1f: {  	s16 =	sand.u32 @!p0 $0x3FFFFFFF, s16;
	s20 =	smov.u32 @p2 s3;
	(pc) =	sbr.rel @!p1 .LBB1_8-.Ltmp1, $4  }
0x20: {  	s17 =	smov.u32 s12;
	s12 =	smov.u32 s14;
	_ =	swait.ge @!p0 [sflag:s22], s16  }
0x21: {  	s23 =	ssub.s32 @!p0 $0x0, s16;
	s16 =	smov.u32 s9;
	s9 =	smov.u32 s11  }
0x22: {  	s11 =	smov.u32 s19;
	s13 =	smov.u32 s20;
	[sflag:s22] =	ssyncset.done @!p0 $0x0  }
0x23: {  	s15 =	sadd.s32 $0x1, s15;
	[sflag:s22] =	ssyncadd.s32 @!p0 s23;
	s14 =	smov.u32 s21  }
.LBB1_1:
0x24: {  	p0 =	sge.u32 s15, s6  }
0x25: {  	s19 =	sshrl.u32 @!p0 s13, $0x3  }
0x26: {  	s20 =	sshll.u32 @!p0 s11, $0x3;
	s19 =	smul.u32 @!p0 $0x1800, s19  }
0x27: {  	s21 =	sshll.u32 @!p0 s13, $0x7;
	s20 =	sand.u32 @!p0 $0xFFFFFC00, s20  }
0x28: {  	s19 =	sadd.s32 @!p0 s19, s20;
	s20 =	sand.u32 @!p0 $0x380, s21  }
0x29: {  	s19 =	sor.u32 @!p0 s20, s19  }
0x2a: {  	s20 =	sand.u32 @!p0 $0x7F, s11;
	s21 =	smulhi.u32 @!p0 $0xAAAAAAAB, s19  }
0x2b: {  	s19 =	sor.u32 @!p0 s20, s19  }
0x2c: {  	s20 =	smulhi.u32 @!p0 $0xAAAAAAAB, s19;
	s21 =	sshrl.u32 @!p0 s21, $0x9  }
0x2d: {  	s22 =	smulhi.u32 @!p0 $0x147AE15, s21;
	_ =	sdelay $0x1  }
0x2e: {  	s20 =	sshrl.u32 @!p0 s20, $0x9;
	s22 =	smul.u32 @!p0 $0xC8, s22  }
0x2f: {  	s20 =	smul.u32 @!p0 $0x300, s20  }
0x30: {  	s23 =	sxor.u32 @!p0 $0xFFFFFFFF, s15;
	s21 =	ssub.s32 @!p0 s21, s22;
	s22 =	smul.u32 @!p0 $0x4B00, s14  }
0x31: {  	s23 =	sshll.u32 @!p0 s23, $0xE;
	s19 =	ssub.s32 @!p0 s19, s20;
	s20 =	smul.u32 @!p0 $0x60, s21  }
0x32: {  	s21 =	sand.u32 @!p0 $0x4000, s23;
	s23 =	sand.u32 @!p0 $0x7, s19;
	s22 =	sadd.s32 @!p0 s5, s22  }
0x33: {  	s19 =	sshrl.u32 @!p0 s19, $0x3;
	s20 =	sadd.s32 @!p0 s20, s22;
	s22 =	sshll.u32 @!p0 s23, $0x12  }
0x34: {  	s19 =	sadd.s32 @!p0 s19, s20;
	s20 =	sor.u32 @!p0 $0x100, s22;
	s22 =	simm.s32 @!p0 $0x25800  }
0x35: {  	[tilespmem:s21], [sflag:$0x1] =	stream.strided.gather @!p0 [hbm4b:s19+s20], $0x4000, s22, s20, $0x38;
	[tilespmem:$0x10000] =	vst v63  }
0x36: {  	p0 =	seq.s32 s15, $0x0  }
0x37: {  	p1 =	sge.u32 @!p0 s15, s7  }
0x38: {  	p0 =	por p0, p1  }
.Ltmp2:
0x39: {  	_ = 	snop;
	(pc) =	sbr.rel @p0 .LBB1_7-.Ltmp2, $1  }
0x3a: {  	_ =	sdelay $0x3  }
0x3b: {  	_ =	swait.ge [sflag:s4], $0x4000;
	s19 =	sshll.u32 s15, $0xE  }
0x3c: {  	[sflag:s4] =	ssyncset.done $0x0;
	s20 =	sand.u32 $0x4000, s19  }
0x3d: {  	s21 =	simm.s32 $0x0;
	[sflag:s4] =	ssyncadd.s32 $0xFFFFC000;
	s19 =	sor.u32 $0x8000, s20  }
.LBB1_3:
0x3e: {  	s22 =	sshll.u32 s21, $0x8  }
0x3f: {  	s22 =	sand.u32 $0x3FFFFF00, s22  }
0x40: {  	s23 =	sshll.u32 s21, $0x7;
	s22 =	sadd.s32 s22, s20  }
0x41: {  	s23 =	sand.u32 $0x3FFFFF80, s23;
	v0 =	vmov s22  }
0x42: {  	s23 =	sadd.s32 s23, s19  }
0x43: {  	p0 =	por $0x1, $0x1;
	v1 =	vmov s23;
	s22 =	simm.s32 $0x0  }
.LBB1_4:
0x44: {  	s23 =	sshll.u32 s22, $0x7  }
0x45: {  	s23 =	sand.u32 $0x3FFFFF80, s23  }
0x46: {  	v2 =	vld.idx.msk [tilespmem:v0+s23+$0x0 ss:$0x1], $0xffff  }
0x47: {  	v3 =	vld.idx.msk [tilespmem:v0+s23+$0x10 ss:$0x1], $0xffff  }
0x48: {  	v4 =	vld.idx.msk [tilespmem:v0+s23+$0x20 ss:$0x1], $0xffff  }
0x49: {  	s31 =	sshll.u32 s22, $0xD;
	v5 =	vld.idx.msk [tilespmem:v0+s23+$0x30 ss:$0x1], $0xffff  }
0x4a: {  	s22 =	sand.u32 $0x3FFFE000, s31;
	v6 =	vld.idx.msk [tilespmem:v0+s23+$0x40 ss:$0x1], $0xffff  }
0x4b: {  	v63 =	vld.idx.msk [tilespmem:v0+s23+$0x70 ss:$0x1], $0xffff;
	[tilespmem:v1+s22+$0x0 ss:$0x1] =	vst.idx.msk $0xffff, v2  }
0x4c: {  	v2 =	vld.idx.msk [tilespmem:v0+s23+$0x50 ss:$0x1], $0xffff;
	[tilespmem:v1+s22+$0x10 ss:$0x1] =	vst.idx.msk $0xffff, v3  }
0x4d: {  	p1 =	por p0, p0;
	v3 =	vld.idx.msk [tilespmem:v0+s23+$0x60 ss:$0x1], $0xffff;
	[tilespmem:v1+s22+$0x20 ss:$0x1] =	vst.idx.msk $0xffff, v4  }
.Ltmp3:
0x4e: {  	[tilespmem:v1+s22+$0x30 ss:$0x1] =	vst.idx.msk $0xffff, v5;
	(pc) =	sbr.rel @p1 .LBB1_4-.Ltmp3, $4  }
0x4f: {  	[tilespmem:v1+s22+$0x40 ss:$0x1] =	vst.idx.msk $0xffff, v6  }
0x50: {  	[tilespmem:v1+s22+$0x70 ss:$0x1] =	vst.idx.msk $0xffff, v63  }
0x51: {  	[tilespmem:v1+s22+$0x50 ss:$0x1] =	vst.idx.msk $0xffff, v2  }
0x52: {  	p0 =	por $0x0, $0x0;
	[tilespmem:v1+s22+$0x60 ss:$0x1] =	vst.idx.msk $0xffff, v3;
	s22 =	simm.s32 $0x1  }
0x53: {  	s21 =	sadd.s32 $0x1, s21  }
0x54: {  	p0 =	sne.s32 s21, $0x40  }
.Ltmp4:
0x55: {  	_ = 	snop;
	(pc) =	sbr.rel @p0 .LBB1_3-.Ltmp4, $1  }
0x56: {  	_ =	sdelay $0x3  }
0x57: {  	s20 =	sshrl.u32 s12, $0x3  }
0x58: {  	s21 =	sshll.u32 s9, $0x3;
	s22 =	sshll.u32 s12, $0x7;
	s23 =	sand.u32 $0x7F, s9  }
0x59: {  	p0 =	sgt.s32 s10, $0xC3;
	s25 =	sshra.s32 s10, $0x1F;
	s29 =	smul.u32 $0x1800, s10  }
0x5a: {  	s26 =	sshra.s32 s9, $0x1F;
	s27 =	ssub.s32 $0x0, s12;
	s20 =	smul.u32 $0x1800, s20  }
0x5b: {  	s21 =	sand.u32 $0xFFFFFC00, s21;
	s24 =	sand.u32 $0x380, s22;
	s22 =	sand.u32 s25, s10  }
0x5c: {  	s25 =	smov.u32 s9;
	s20 =	sadd.s32 s20, s21;
	s21 =	smov.u32 s10  }
0x5d: {  	s26 =	sand.u32 s26, s9;
	s20 =	sor.u32 s24, s20;
	s21 =	simm.s32 @!p0 $0xC3  }
0x5e: {  	p0 =	sgt.s32 s9, $0x280;
	s23 =	sor.u32 s23, s20;
	s21 =	ssub.s32 s21, s22  }
0x5f: {  	s25 =	simm.s32 @!p0 $0x280;
	s20 =	smulhi.u32 $0xAAAAAAAB, s20;
	s22 =	sadd.s32 $0xFFFFFF3D, s21  }
0x60: {  	s24 =	smulhi.u32 $0xAAAAAAAB, s23;
	s21 =	ssub.s32 $0xC5, s21;
	p1 =	sgt.s32 s22, $0x1  }
0x61: {  	s22 =	ssub.s32 s25, s26;
	s25 =	smin.u32 s12, s27;
	s20 =	sshrl.u32 s20, $0x9  }
0x62: {  	s24 =	sshrl.u32 s24, $0x9;
	s21 =	simm.s32 @p1 $0x0;
	p0 =	sgt.s32 s25, $0x3F  }
0x63: {  	s25 =	ssub.s32 $0x40, s25;
	s20 =	sand.u32 $0x3F, s20;
	s24 =	smul.u32 $0x300, s24  }
0x64: {  	s28 =	sadd.s32 $0xFFFFFD80, s22;
	s25 =	simm.s32 @p0 $0x0;
	s20 =	smul.u32 $0x60, s20  }
0x65: {  	s22 =	ssub.s32 $0x300, s22;
	p0 =	sgt.s32 s28, $0x7F;
	s21 =	smul.u32 s25, s21  }
.Ltmp5:
0x66: {  	s22 =	simm.s32 @p0 $0x0;
	s23 =	ssub.s32 s23, s24;
	(pc) =	sbr.rel .LBB1_7-.Ltmp5, $4  }
0x67: {  	s30 =	sadd.s32 s2, s29;
	s21 =	smul.u32 s22, s21;
	s24 =	sand.u32 $0x7, s23  }
0x68: {  	s20 =	sadd.s32 s20, s30;
	s23 =	sshrl.u32 s23, $0x3;
	s31 =	sshll.u32 s24, $0x12  }
0x69: {  	s20 =	sadd.s32 s23, s20;
	s21 =	sand.u32 $0x3FFFFFFF, s21;
	s22 =	sor.u32 $0x400, s31  }
0x6a: {  	[hbm4b:s20+s22] =	stream.strided.scatter [tilespmem:s19], [sflag:$0x2], s21, s8, s22, $0x38;
	[tilespmem:$0x10000] =	vst v63  }
.LBB1_8:
0x6b: {  	_ =	sfence.sel $0x180000  }
0x6c: {  	s2 =	simm.s32 $0x1;
	[bflag:$0x0] =	sbarrier.arrive $0xFFFF  }
0x6d: {  	s31 =	simm.s32 $0x2;
	[sflag:s2] =	ssyncpa.u1 $0x1  }
0x6e: {  	[sflag:s31] =	ssyncpa.u1 $0x1  }
0x6f: {  	p0 =	sne.s32 s0, $0x0;
	_ =	strace $0x90000047  }
0x70: {  	s0 =	sadd.s32 @!p0 $0x100000, s1;
	[bflag:$0x2] =	sbarrier.arrive $0xFFFF  }
0x71: {  	[sflag:s0] =	ssyncadd.tile.s32 @!p0 $0x1;
	_ =	shalt  }
.Lfunc_end1:
_tile_overlayer_lowered:
.L_overlay_start_2:
0x72: {  	(tag) =	ssettag $0x2  }
0x73: {  	s0 =	rddreg [dreg:$0x0];
	s2 =	stileid.u32  }
0x74: {  	s1 =	rddreg [dreg:$0x1];
	p0 =	sne.s32 s2, $0x0  }
0x75: {  	s3 =	rddreg [dreg:$0x2];
	[bflag:$0x3] =	sbarrier.arrive $0xFFFF;
	s2 =	simm.s32 @!p0 $0x1C01  }
0x76: {  	[timem:s3], [sflag:s2] =	dma.local @!p0 [hbm:s0], s1  }
0x77: {  	s0 =	simm.s32 @!p0 $0x1  }
0x78: {  	_ =	swait.ge @!p0 [sflag:s0], s1  }
0x79: {  	s1 =	ssub.s32 @!p0 $0x0, s1;
	[sflag:s0] =	ssyncset.done @!p0 $0x0  }
0x7a: {  	[sflag:s0] =	ssyncadd.s32 @!p0 s1  }
0x7b: {  	[bflag:$0x3] =	sbarrier.arrive $0xFFFF  }
0x7c: {  	_ =	shalt  }

</sc_bundles>
